<compile_context>
chip_gen: v7x
topology: tpu7x:2x2x1
jax: 0.10.2.dev20260603
libtpu: 0.0.44.dev20260713+nightly
codegen_flags: <defaults>
</compile_context>

<pallas_src>
import functools

import jax
import jax.numpy as jnp
from jax import lax
from jax.experimental import pallas as pl
from jax.experimental.pallas import tpu as pltpu
from jax.experimental.pallas import tpu_sc as plsc

N = 8192
K = 8192
D = 32
BETA = 0.25

BN = 1024
NB = N // BN
CK = 1024


def _argmin_body(fs_ref, flat_ref, embT2_ref, es_ref, idx_ref, minv_ref,
                 part_ref):
    fs = fs_ref[...]
    run_min = None
    run_cb = jnp.zeros((BN, 128), jnp.int32)
    for c in range(K // CK):
        dotc = lax.dot_general(flat_ref[...], embT2_ref[:, c * CK:(c + 1) * CK],
                               (((1,), (0,)), ((), ())),
                               preferred_element_type=jnp.float32)
        for j in range(CK // 128):
            cb = c * (CK // 128) + j
            v = (fs + es_ref[:, cb * 128:(cb + 1) * 128]) \
                - dotc[:, j * 128:(j + 1) * 128]
            if run_min is None:
                run_min = v
                continue
            better = v < run_min
            run_min = jnp.where(better, v, run_min)
            run_cb = jnp.where(better, cb, run_cb)
    tmin = jnp.min(run_min, axis=1, keepdims=True)
    lane = lax.broadcasted_iota(jnp.int32, (BN, 128), 1)
    targ = jnp.min(jnp.where(run_min == tmin, run_cb * 128 + lane, K),
                   axis=1, keepdims=True)
    idx_ref[...] = targ
    minv_ref[...] = tmin
    part_ref[...] = jnp.sum(tmin, keepdims=True).reshape(1, 1, 1)


def _argmin_call(flat, fs, embT2, es):
    return pl.pallas_call(
        _argmin_body,
        grid=(NB,),
        in_specs=[
            pl.BlockSpec((BN, 1), lambda n: (n, 0)),
            pl.BlockSpec((BN, D), lambda n: (n, 0)),
            pl.BlockSpec((D, K), lambda n: (0, 0)),
            pl.BlockSpec((1, K), lambda n: (0, 0)),
        ],
        out_specs=[
            pl.BlockSpec((BN, 1), lambda n: (n, 0)),
            pl.BlockSpec((BN, 1), lambda n: (n, 0)),
            pl.BlockSpec((1, 1, 1), lambda n: (n, 0, 0)),
        ],
        out_shape=[
            jax.ShapeDtypeStruct((N, 1), jnp.int32),
            jax.ShapeDtypeStruct((N, 1), jnp.float32),
            jax.ShapeDtypeStruct((NB, 1, 1), jnp.float32),
        ],
        compiler_params=pltpu.CompilerParams(
            dimension_semantics=("parallel",)),
    )(fs, flat, embT2, es)


DP = 128


def _sc_gather(table_padded, idx):
    info = plsc.get_sparse_core_info()
    nw = info.num_cores * info.num_subcores
    b_per_w = N // nw
    mesh = plsc.VectorSubcoreMesh(core_axis_name="c", subcore_axis_name="s")

    @functools.partial(
        pl.kernel, mesh=mesh,
        out_type=jax.ShapeDtypeStruct((N, DP), jnp.float32),
        scratch_types=[
            pltpu.VMEM((b_per_w,), jnp.int32),
            pltpu.VMEM((b_per_w, DP), jnp.float32),
            pltpu.SemaphoreType.DMA,
        ],
    )
    def gather_k(table_hbm, idx_hbm, out_hbm, idx_v, rows_v, sem):
        wid = lax.axis_index("s") * info.num_cores + lax.axis_index("c")
        base = wid * b_per_w
        pltpu.sync_copy(idx_hbm.at[pl.ds(base, b_per_w)], idx_v)
        pltpu.async_copy(table_hbm.at[idx_v], rows_v, sem).wait()
        pltpu.sync_copy(rows_v, out_hbm.at[pl.ds(base, b_per_w)])

    return gather_k(table_padded, idx)


def kernel(latent, embedding):
    lat = jnp.transpose(latent, (0, 2, 3, 1))
    b, h, w, d = lat.shape
    flat = lat.reshape(-1, d)
    fs = jnp.sum(flat ** 2, axis=1, keepdims=True)
    es = jnp.sum(embedding ** 2, axis=1).reshape(1, K)
    embT2 = embedding.T + embedding.T

    idx2, _minv, parts = _argmin_call(flat, fs, embT2, es)
    idx = idx2.reshape(N)

    table_padded = jnp.pad(embedding, ((0, 0), (0, DP - D)))
    q = _sc_gather(table_padded, idx)[:, :D]

    loss = jnp.sum(parts) * ((1.0 + BETA) / (N * D))
    out = jnp.transpose(q.reshape(b, h, w, d), (0, 3, 1, 2))
    return (out, loss)

# --- scband reference (transcript-rebuilt; emitter-appended) ---
"""Pipeline reference for scband-vector-quantizer-24008867184954 (READ-ONLY COPY).

The authoritative reference and input builder live on the scoring server;
editing this copy changes nothing except your own understanding.
"""

import jax, jax.numpy as jnp
import numpy as np

K = 8192
D = 32
BETA = 0.25

def setup_inputs(seed: int = 0) -> dict:
    key = jax.random.key(seed)
    k1, k2 = jax.random.split(key)
    latent = jax.random.normal(k1, (8, 32, 32, 32), dtype=jnp.float32)
    embedding = jax.random.uniform(k2, (K, D), minval=-1.0 / K, maxval=1.0 / K, dtype=jnp.float32)
    return {"latent": latent, "embedding": embedding}

def reference(latent, embedding):
    # b d h w -> b h w d
    lat = jnp.transpose(latent, (0, 2, 3, 1))
    b, h, w, d = lat.shape
    flat = lat.reshape(-1, d)
    # L2 distance to every codebook entry
    l2 = (jnp.sum(flat ** 2, axis=1, keepdims=True)
          + jnp.sum(embedding ** 2, axis=1)
          - 2.0 * flat @ embedding.T)
    idx = jnp.argmin(l2, axis=1)
    # one-hot via scatter-overwrite, then matmul with codebook (faithful to torch scatter_)
    oh = jnp.zeros((flat.shape[0], K), dtype=flat.dtype).at[jnp.arange(flat.shape[0]), idx].set(1.0)
    q = oh @ embedding
    q = q.reshape(b, h, w, d)
    embedding_loss = jnp.mean((q - jax.lax.stop_gradient(lat)) ** 2)
    commitment_loss = jnp.mean((jax.lax.stop_gradient(q) - lat) ** 2)
    loss = embedding_loss + BETA * commitment_loss
    # straight-through estimator
    q_st = lat + jax.lax.stop_gradient(q - lat)
    out = jnp.transpose(q_st, (0, 3, 1, 2))
    return (out, loss)

if __name__ == "__main__":
    import jax
    _d = setup_inputs()
    print(jax.jit(kernel)(*tuple(_d.values())))

</pallas_src>

<mosaic_0001>
#map = affine_map<(d0, d1) -> (0, 0)>
#map1 = affine_map<(d0, d1) -> (0)>
module attributes {stable_mosaic.version = 14 : i64} {
  func.func @gather_k(%arg0: i32, %arg1: i32, %arg2: memref<8192x128xf32, #tpu.memory_space<hbm>>, %arg3: memref<8192xi32, #tpu.memory_space<hbm>>, %arg4: memref<8192x128xf32, #tpu.memory_space<hbm>>, %arg5: memref<256xi32, #tpu.memory_space<vmem>>, %arg6: memref<256x128xf32, #tpu.memory_space<vmem>>, %arg7: memref<!tpu.dma_semaphore, #tpu.memory_space<semaphore_mem>>) attributes {dimension_semantics = [#tpu.dimension_semantics<core_parallel>, #tpu.dimension_semantics<subcore_parallel>], iteration_bounds = array<i64: 2, 16>, scalar_prefetch = 0 : i64, scratch_operands = 3 : i64, tpu.core_type = #tpu.core_type<sc_vector_subcore>, window_params = [{transform_indices = #map}, {transform_indices = #map1}, {transform_indices = #map}]} {
    %mul3A = arith.constant 2 : i32
    %mul3A_0 = arith.muli %arg1, %mul3A : i32
    %add3A = arith.addi %mul3A_0, %arg0 : i32
    %mul3A_1 = arith.constant 256 : i32
    %mul3A_2 = arith.muli %add3A, %mul3A_1 : i32
    "tpu.region"() ({
      %run_scoped3A = tpu.sem_alloc : memref<!tpu.dma_semaphore, #tpu.memory_space<semaphore_mem>>
      %dma_start3A_7 = tpu.memref_slice %arg3[%mul3A_2] : memref<8192xi32, #tpu.memory_space<hbm>> -> memref<256xi32, #tpu.memory_space<hbm>>
      %dma_start3A_8 = tpu.memref_slice %arg3[%mul3A_2] : memref<8192xi32, #tpu.memory_space<hbm>> -> memref<256xi32, #tpu.memory_space<hbm>>
      tpu.enqueue_dma source(%dma_start3A_8 : memref<256xi32, #tpu.memory_space<hbm>>) target(%arg5 : memref<256xi32, #tpu.memory_space<vmem>>) target_semaphore(%run_scoped3A : memref<!tpu.dma_semaphore, #tpu.memory_space<semaphore_mem>>)
      %dma_wait3A_9 = tpu.memref_slice %arg3[%mul3A_2] : memref<8192xi32, #tpu.memory_space<hbm>> -> memref<256xi32, #tpu.memory_space<hbm>>
      %dma_wait3A_10 = tpu.memref_slice %arg3[%mul3A_2] : memref<8192xi32, #tpu.memory_space<hbm>> -> memref<256xi32, #tpu.memory_space<hbm>>
      tpu.wait_dma2 semaphore(%run_scoped3A : memref<!tpu.dma_semaphore, #tpu.memory_space<semaphore_mem>>) src(%dma_wait3A_10 : memref<256xi32, #tpu.memory_space<hbm>>) dst(%arg5 : memref<256xi32, #tpu.memory_space<vmem>>)
      tpu.yield
    }) : () -> ()
    %dma_start3A = arith.constant 0 : i32
    %dma_start3A_3 = arith.constant 0 : i32
    %dma_start3A_4 = tpu.memref_slice %arg2[%dma_start3A, %dma_start3A_3] : memref<8192x128xf32, #tpu.memory_space<hbm>> -> memref<8192x128xf32, #tpu.memory_space<hbm>>
    tpu.enqueue_indirect_dma source(%dma_start3A_4 : memref<8192x128xf32, #tpu.memory_space<hbm>>) target(%arg6 : memref<256x128xf32, #tpu.memory_space<vmem>>) offsets(%arg5 : memref<256xi32, #tpu.memory_space<vmem>>) semaphore(%arg7 : memref<!tpu.dma_semaphore, #tpu.memory_space<semaphore_mem>>)
    %dma_wait3A = arith.constant 0 : i32
    %dma_wait3A_5 = arith.constant 0 : i32
    %dma_wait3A_6 = tpu.memref_slice %arg2[%dma_wait3A, %dma_wait3A_5] : memref<8192x128xf32, #tpu.memory_space<hbm>> -> memref<8192x128xf32, #tpu.memory_space<hbm>>
    tpu.wait_indirect_dma semaphore(%arg7 : memref<!tpu.dma_semaphore, #tpu.memory_space<semaphore_mem>>) src(%dma_wait3A_6 : memref<8192x128xf32, #tpu.memory_space<hbm>>) dst(%arg6 : memref<256x128xf32, #tpu.memory_space<vmem>>)
    "tpu.region"() ({
      %run_scoped3A = tpu.sem_alloc : memref<!tpu.dma_semaphore, #tpu.memory_space<semaphore_mem>>
      %dma_start3A_7 = arith.constant 0 : i32
      %dma_start3A_8 = tpu.memref_slice %arg4[%mul3A_2, %dma_start3A_7] : memref<8192x128xf32, #tpu.memory_space<hbm>> -> memref<256x128xf32, #tpu.memory_space<hbm>>
      %dma_start3A_9 = arith.constant 0 : i32
      %dma_start3A_10 = tpu.memref_slice %arg4[%mul3A_2, %dma_start3A_9] : memref<8192x128xf32, #tpu.memory_space<hbm>> -> memref<256x128xf32, #tpu.memory_space<hbm>>
      tpu.enqueue_dma source(%arg6 : memref<256x128xf32, #tpu.memory_space<vmem>>) target(%dma_start3A_10 : memref<256x128xf32, #tpu.memory_space<hbm>>) target_semaphore(%run_scoped3A : memref<!tpu.dma_semaphore, #tpu.memory_space<semaphore_mem>>)
      %dma_wait3A_11 = arith.constant 0 : i32
      %dma_wait3A_12 = tpu.memref_slice %arg4[%mul3A_2, %dma_wait3A_11] : memref<8192x128xf32, #tpu.memory_space<hbm>> -> memref<256x128xf32, #tpu.memory_space<hbm>>
      %dma_wait3A_13 = arith.constant 0 : i32
      %dma_wait3A_14 = tpu.memref_slice %arg4[%mul3A_2, %dma_wait3A_13] : memref<8192x128xf32, #tpu.memory_space<hbm>> -> memref<256x128xf32, #tpu.memory_space<hbm>>
      tpu.wait_dma2 semaphore(%run_scoped3A : memref<!tpu.dma_semaphore, #tpu.memory_space<semaphore_mem>>) src(%arg6 : memref<256x128xf32, #tpu.memory_space<vmem>>) dst(%dma_wait3A_14 : memref<256x128xf32, #tpu.memory_space<hbm>>)
      tpu.yield
    }) : () -> ()
    return
  }
}

module attributes {stable_mosaic.version = 14 : i64} {
  func.func @_argmin_body(%arg0: i32, %arg1: memref<1024x1xf32, #tpu.memory_space<vmem>>, %arg2: memref<1024x32xf32, #tpu.memory_space<vmem>>, %arg3: memref<32x8192xf32, #tpu.memory_space<vmem>>, %arg4: memref<1x8192xf32, #tpu.memory_space<vmem>>, %arg5: memref<1024x1xi32, #tpu.memory_space<vmem>>, %arg6: memref<1024x1xf32, #tpu.memory_space<vmem>>, %arg7: memref<1x1x1xf32, #tpu.memory_space<vmem>>) attributes {dimension_semantics = [#tpu.dimension_semantics<parallel>], iteration_bounds = array<i64: 8>, scalar_prefetch = 0 : i64, scratch_operands = 0 : i64, tpu.core_type = #tpu.core_type<tc>, window_params = [{transform_indices = @transform_0, window_bounds = array<i64: 1024, 1>}, {transform_indices = @transform_1, window_bounds = array<i64: 1024, 32>}, {pipeline_mode = #tpu.pipeline_mode<synchronous>, transform_indices = @transform_2, window_bounds = array<i64: 32, 8192>}, {pipeline_mode = #tpu.pipeline_mode<synchronous>, transform_indices = @transform_3, window_bounds = array<i64: 1, 8192>}, {transform_indices = @transform_4, window_bounds = array<i64: 1024, 1>}, {transform_indices = @transform_5, window_bounds = array<i64: 1024, 1>}, {transform_indices = @transform_6, window_bounds = array<i64: 1, 1, 1>}]} {
    %get3A = arith.constant 0 : index
    %get3A_0 = arith.constant 0 : index
    %get3A_1 = vector.load %arg1[%get3A, %get3A_0] : memref<1024x1xf32, #tpu.memory_space<vmem>>, vector<1024x1xf32>
    %broadcast_in_dim3A = arith.constant 0 : i32
    %broadcast_in_dim3A_2 = vector.broadcast %broadcast_in_dim3A : i32 to vector<1024x128xi32>
    %get3A_3 = arith.constant 0 : index
    %get3A_4 = arith.constant 0 : index
    %get3A_5 = vector.load %arg2[%get3A_3, %get3A_4] : memref<1024x32xf32, #tpu.memory_space<vmem>>, vector<1024x32xf32>
    %get3A_6 = arith.constant 0 : index
    %get3A_7 = arith.constant 0 : index
    %get3A_8 = vector.load %arg3[%get3A_6, %get3A_7] : memref<32x8192xf32, #tpu.memory_space<vmem>>, vector<32x1024xf32>
    %dot_general3A = arith.constant dense<0.000000e+00> : vector<1024x1024xf32>
    %dot_general3A_9 = tpu.matmul %get3A_5, %get3A_8, %dot_general3A {dimension_numbers = #tpu.dot_dimension_numbers<[1], [0], [0], [1], [0, 0, 1, 1], [], []>, transpose_lhs_hint = false} : vector<1024x32xf32>, vector<32x1024xf32>, vector<1024x1024xf32> -> vector<1024x1024xf32>
    %get3A_10 = arith.constant 0 : index
    %get3A_11 = arith.constant 0 : index
    %get3A_12 = vector.load %arg4[%get3A_10, %get3A_11] : memref<1x8192xf32, #tpu.memory_space<vmem>>, vector<1x128xf32>
    %add3A = vector.broadcast %get3A_1 : vector<1024x1xf32> to vector<1024x128xf32>
    %add3A_13 = vector.broadcast %get3A_12 : vector<1x128xf32> to vector<1024x128xf32>
    %add3A_14 = arith.addf %add3A, %add3A_13 : vector<1024x128xf32>
    %slice3A = vector.extract_strided_slice %dot_general3A_9 {offsets = [0, 0], sizes = [1024, 128], strides = [1, 1]} : vector<1024x1024xf32> to vector<1024x128xf32>
    %sub3A = arith.subf %add3A_14, %slice3A : vector<1024x128xf32>
    %get3A_15 = arith.constant 0 : index
    %get3A_16 = arith.constant 128 : index
    %get3A_17 = vector.load %arg4[%get3A_15, %get3A_16] : memref<1x8192xf32, #tpu.memory_space<vmem>>, vector<1x128xf32>
    %add3A_18 = vector.broadcast %get3A_1 : vector<1024x1xf32> to vector<1024x128xf32>
    %add3A_19 = vector.broadcast %get3A_17 : vector<1x128xf32> to vector<1024x128xf32>
    %add3A_20 = arith.addf %add3A_18, %add3A_19 : vector<1024x128xf32>
    %slice3A_21 = vector.extract_strided_slice %dot_general3A_9 {offsets = [0, 128], sizes = [1024, 128], strides = [1, 1]} : vector<1024x1024xf32> to vector<1024x128xf32>
    %sub3A_22 = arith.subf %add3A_20, %slice3A_21 : vector<1024x128xf32>
    %lt3A = arith.cmpf olt, %sub3A_22, %sub3A : vector<1024x128xf32>
    %select_n3A = arith.select %lt3A, %sub3A_22, %sub3A : vector<1024x128xi1>, vector<1024x128xf32>
    %jit3A = arith.constant 1 : i32
    %broadcast_in_dim3A_23 = vector.broadcast %jit3A : i32 to vector<1024x128xi32>
    %select_n3A_24 = arith.select %lt3A, %broadcast_in_dim3A_23, %broadcast_in_dim3A_2 : vector<1024x128xi1>, vector<1024x128xi32>
    %get3A_25 = arith.constant 0 : index
    %get3A_26 = arith.constant 256 : index
    %get3A_27 = vector.load %arg4[%get3A_25, %get3A_26] : memref<1x8192xf32, #tpu.memory_space<vmem>>, vector<1x128xf32>
    %add3A_28 = vector.broadcast %get3A_1 : vector<1024x1xf32> to vector<1024x128xf32>
    %add3A_29 = vector.broadcast %get3A_27 : vector<1x128xf32> to vector<1024x128xf32>
    %add3A_30 = arith.addf %add3A_28, %add3A_29 : vector<1024x128xf32>
    %slice3A_31 = vector.extract_strided_slice %dot_general3A_9 {offsets = [0, 256], sizes = [1024, 128], strides = [1, 1]} : vector<1024x1024xf32> to vector<1024x128xf32>
    %sub3A_32 = arith.subf %add3A_30, %slice3A_31 : vector<1024x128xf32>
    %lt3A_33 = arith.cmpf olt, %sub3A_32, %select_n3A : vector<1024x128xf32>
    %select_n3A_34 = arith.select %lt3A_33, %sub3A_32, %select_n3A : vector<1024x128xi1>, vector<1024x128xf32>
    %jit3A_35 = arith.constant 2 : i32
    %broadcast_in_dim3A_36 = vector.broadcast %jit3A_35 : i32 to vector<1024x128xi32>
    %select_n3A_37 = arith.select %lt3A_33, %broadcast_in_dim3A_36, %select_n3A_24 : vector<1024x128xi1>, vector<1024x128xi32>
    %get3A_38 = arith.constant 0 : index
    %get3A_39 = arith.constant 384 : index
    %get3A_40 = vector.load %arg4[%get3A_38, %get3A_39] : memref<1x8192xf32, #tpu.memory_space<vmem>>, vector<1x128xf32>
    %add3A_41 = vector.broadcast %get3A_1 : vector<1024x1xf32> to vector<1024x128xf32>
    %add3A_42 = vector.broadcast %get3A_40 : vector<1x128xf32> to vector<1024x128xf32>
    %add3A_43 = arith.addf %add3A_41, %add3A_42 : vector<1024x128xf32>
    %slice3A_44 = vector.extract_strided_slice %dot_general3A_9 {offsets = [0, 384], sizes = [1024, 128], strides = [1, 1]} : vector<1024x1024xf32> to vector<1024x128xf32>
    %sub3A_45 = arith.subf %add3A_43, %slice3A_44 : vector<1024x128xf32>
    %lt3A_46 = arith.cmpf olt, %sub3A_45, %select_n3A_34 : vector<1024x128xf32>
    %select_n3A_47 = arith.select %lt3A_46, %sub3A_45, %select_n3A_34 : vector<1024x128xi1>, vector<1024x128xf32>
    %jit3A_48 = arith.constant 3 : i32
    %broadcast_in_dim3A_49 = vector.broadcast %jit3A_48 : i32 to vector<1024x128xi32>
    %select_n3A_50 = arith.select %lt3A_46, %broadcast_in_dim3A_49, %select_n3A_37 : vector<1024x128xi1>, vector<1024x128xi32>
    %get3A_51 = arith.constant 0 : index
    %get3A_52 = arith.constant 512 : index
    %get3A_53 = vector.load %arg4[%get3A_51, %get3A_52] : memref<1x8192xf32, #tpu.memory_space<vmem>>, vector<1x128xf32>
    %add3A_54 = vector.broadcast %get3A_1 : vector<1024x1xf32> to vector<1024x128xf32>
    %add3A_55 = vector.broadcast %get3A_53 : vector<1x128xf32> to vector<1024x128xf32>
    %add3A_56 = arith.addf %add3A_54, %add3A_55 : vector<1024x128xf32>
    %slice3A_57 = vector.extract_strided_slice %dot_general3A_9 {offsets = [0, 512], sizes = [1024, 128], strides = [1, 1]} : vector<1024x1024xf32> to vector<1024x128xf32>
    %sub3A_58 = arith.subf %add3A_56, %slice3A_57 : vector<1024x128xf32>
    %lt3A_59 = arith.cmpf olt, %sub3A_58, %select_n3A_47 : vector<1024x128xf32>
    %select_n3A_60 = arith.select %lt3A_59, %sub3A_58, %select_n3A_47 : vector<1024x128xi1>, vector<1024x128xf32>
    %jit3A_61 = arith.constant 4 : i32
    %broadcast_in_dim3A_62 = vector.broadcast %jit3A_61 : i32 to vector<1024x128xi32>
    %select_n3A_63 = arith.select %lt3A_59, %broadcast_in_dim3A_62, %select_n3A_50 : vector<1024x128xi1>, vector<1024x128xi32>
    %get3A_64 = arith.constant 0 : index
    %get3A_65 = arith.constant 640 : index
    %get3A_66 = vector.load %arg4[%get3A_64, %get3A_65] : memref<1x8192xf32, #tpu.memory_space<vmem>>, vector<1x128xf32>
    %add3A_67 = vector.broadcast %get3A_1 : vector<1024x1xf32> to vector<1024x128xf32>
    %add3A_68 = vector.broadcast %get3A_66 : vector<1x128xf32> to vector<1024x128xf32>
    %add3A_69 = arith.addf %add3A_67, %add3A_68 : vector<1024x128xf32>
    %slice3A_70 = vector.extract_strided_slice %dot_general3A_9 {offsets = [0, 640], sizes = [1024, 128], strides = [1, 1]} : vector<1024x1024xf32> to vector<1024x128xf32>
    %sub3A_71 = arith.subf %add3A_69, %slice3A_70 : vector<1024x128xf32>
    %lt3A_72 = arith.cmpf olt, %sub3A_71, %select_n3A_60 : vector<1024x128xf32>
    %select_n3A_73 = arith.select %lt3A_72, %sub3A_71, %select_n3A_60 : vector<1024x128xi1>, vector<1024x128xf32>
    %jit3A_74 = arith.constant 5 : i32
    %broadcast_in_dim3A_75 = vector.broadcast %jit3A_74 : i32 to vector<1024x128xi32>
    %select_n3A_76 = arith.select %lt3A_72, %broadcast_in_dim3A_75, %select_n3A_63 : vector<1024x128xi1>, vector<1024x128xi32>
    %get3A_77 = arith.constant 0 : index
    %get3A_78 = arith.constant 768 : index
    %get3A_79 = vector.load %arg4[%get3A_77, %get3A_78] : memref<1x8192xf32, #tpu.memory_space<vmem>>, vector<1x128xf32>
    %add3A_80 = vector.broadcast %get3A_1 : vector<1024x1xf32> to vector<1024x128xf32>
    %add3A_81 = vector.broadcast %get3A_79 : vector<1x128xf32> to vector<1024x128xf32>
    %add3A_82 = arith.addf %add3A_80, %add3A_81 : vector<1024x128xf32>
    %slice3A_83 = vector.extract_strided_slice %dot_general3A_9 {offsets = [0, 768], sizes = [1024, 128], strides = [1, 1]} : vector<1024x1024xf32> to vector<1024x128xf32>
    %sub3A_84 = arith.subf %add3A_82, %slice3A_83 : vector<1024x128xf32>
    %lt3A_85 = arith.cmpf olt, %sub3A_84, %select_n3A_73 : vector<1024x128xf32>
    %select_n3A_86 = arith.select %lt3A_85, %sub3A_84, %select_n3A_73 : vector<1024x128xi1>, vector<1024x128xf32>
    %jit3A_87 = arith.constant 6 : i32
    %broadcast_in_dim3A_88 = vector.broadcast %jit3A_87 : i32 to vector<1024x128xi32>
    %select_n3A_89 = arith.select %lt3A_85, %broadcast_in_dim3A_88, %select_n3A_76 : vector<1024x128xi1>, vector<1024x128xi32>
    %get3A_90 = arith.constant 0 : index
    %get3A_91 = arith.constant 896 : index
    %get3A_92 = vector.load %arg4[%get3A_90, %get3A_91] : memref<1x8192xf32, #tpu.memory_space<vmem>>, vector<1x128xf32>
    %add3A_93 = vector.broadcast %get3A_1 : vector<1024x1xf32> to vector<1024x128xf32>
    %add3A_94 = vector.broadcast %get3A_92 : vector<1x128xf32> to vector<1024x128xf32>
    %add3A_95 = arith.addf %add3A_93, %add3A_94 : vector<1024x128xf32>
    %slice3A_96 = vector.extract_strided_slice %dot_general3A_9 {offsets = [0, 896], sizes = [1024, 128], strides = [1, 1]} : vector<1024x1024xf32> to vector<1024x128xf32>
    %sub3A_97 = arith.subf %add3A_95, %slice3A_96 : vector<1024x128xf32>
    %lt3A_98 = arith.cmpf olt, %sub3A_97, %select_n3A_86 : vector<1024x128xf32>
    %select_n3A_99 = arith.select %lt3A_98, %sub3A_97, %select_n3A_86 : vector<1024x128xi1>, vector<1024x128xf32>
    %jit3A_100 = arith.constant 7 : i32
    %broadcast_in_dim3A_101 = vector.broadcast %jit3A_100 : i32 to vector<1024x128xi32>
    %select_n3A_102 = arith.select %lt3A_98, %broadcast_in_dim3A_101, %select_n3A_89 : vector<1024x128xi1>, vector<1024x128xi32>
    %get3A_103 = arith.constant 0 : index
    %get3A_104 = arith.constant 0 : index
    %get3A_105 = vector.load %arg2[%get3A_103, %get3A_104] : memref<1024x32xf32, #tpu.memory_space<vmem>>, vector<1024x32xf32>
    %get3A_106 = arith.constant 0 : index
    %get3A_107 = arith.constant 1024 : index
    %get3A_108 = vector.load %arg3[%get3A_106, %get3A_107] : memref<32x8192xf32, #tpu.memory_space<vmem>>, vector<32x1024xf32>
    %dot_general3A_109 = arith.constant dense<0.000000e+00> : vector<1024x1024xf32>
    %dot_general3A_110 = tpu.matmul %get3A_105, %get3A_108, %dot_general3A_109 {dimension_numbers = #tpu.dot_dimension_numbers<[1], [0], [0], [1], [0, 0, 1, 1], [], []>, transpose_lhs_hint = false} : vector<1024x32xf32>, vector<32x1024xf32>, vector<1024x1024xf32> -> vector<1024x1024xf32>
    %get3A_111 = arith.constant 0 : index
    %get3A_112 = arith.constant 1024 : index
    %get3A_113 = vector.load %arg4[%get3A_111, %get3A_112] : memref<1x8192xf32, #tpu.memory_space<vmem>>, vector<1x128xf32>
    %add3A_114 = vector.broadcast %get3A_1 : vector<1024x1xf32> to vector<1024x128xf32>
    %add3A_115 = vector.broadcast %get3A_113 : vector<1x128xf32> to vector<1024x128xf32>
    %add3A_116 = arith.addf %add3A_114, %add3A_115 : vector<1024x128xf32>
    %slice3A_117 = vector.extract_strided_slice %dot_general3A_110 {offsets = [0, 0], sizes = [1024, 128], strides = [1, 1]} : vector<1024x1024xf32> to vector<1024x128xf32>
    %sub3A_118 = arith.subf %add3A_116, %slice3A_117 : vector<1024x128xf32>
    %lt3A_119 = arith.cmpf olt, %sub3A_118, %select_n3A_99 : vector<1024x128xf32>
    %select_n3A_120 = arith.select %lt3A_119, %sub3A_118, %select_n3A_99 : vector<1024x128xi1>, vector<1024x128xf32>
    %jit3A_121 = arith.constant 8 : i32
    %broadcast_in_dim3A_122 = vector.broadcast %jit3A_121 : i32 to vector<1024x128xi32>
    %select_n3A_123 = arith.select %lt3A_119, %broadcast_in_dim3A_122, %select_n3A_102 : vector<1024x128xi1>, vector<1024x128xi32>
    %get3A_124 = arith.constant 0 : index
    %get3A_125 = arith.constant 1152 : index
    %get3A_126 = vector.load %arg4[%get3A_124, %get3A_125] : memref<1x8192xf32, #tpu.memory_space<vmem>>, vector<1x128xf32>
    %add3A_127 = vector.broadcast %get3A_1 : vector<1024x1xf32> to vector<1024x128xf32>
    %add3A_128 = vector.broadcast %get3A_126 : vector<1x128xf32> to vector<1024x128xf32>
    %add3A_129 = arith.addf %add3A_127, %add3A_128 : vector<1024x128xf32>
    %slice3A_130 = vector.extract_strided_slice %dot_general3A_110 {offsets = [0, 128], sizes = [1024, 128], strides = [1, 1]} : vector<1024x1024xf32> to vector<1024x128xf32>
    %sub3A_131 = arith.subf %add3A_129, %slice3A_130 : vector<1024x128xf32>
    %lt3A_132 = arith.cmpf olt, %sub3A_131, %select_n3A_120 : vector<1024x128xf32>
    %select_n3A_133 = arith.select %lt3A_132, %sub3A_131, %select_n3A_120 : vector<1024x128xi1>, vector<1024x128xf32>
    %jit3A_134 = arith.constant 9 : i32
    %broadcast_in_dim3A_135 = vector.broadcast %jit3A_134 : i32 to vector<1024x128xi32>
    %select_n3A_136 = arith.select %lt3A_132, %broadcast_in_dim3A_135, %select_n3A_123 : vector<1024x128xi1>, vector<1024x128xi32>
    %get3A_137 = arith.constant 0 : index
    %get3A_138 = arith.constant 1280 : index
    %get3A_139 = vector.load %arg4[%get3A_137, %get3A_138] : memref<1x8192xf32, #tpu.memory_space<vmem>>, vector<1x128xf32>
    %add3A_140 = vector.broadcast %get3A_1 : vector<1024x1xf32> to vector<1024x128xf32>
    %add3A_141 = vector.broadcast %get3A_139 : vector<1x128xf32> to vector<1024x128xf32>
    %add3A_142 = arith.addf %add3A_140, %add3A_141 : vector<1024x128xf32>
    %slice3A_143 = vector.extract_strided_slice %dot_general3A_110 {offsets = [0, 256], sizes = [1024, 128], strides = [1, 1]} : vector<1024x1024xf32> to vector<1024x128xf32>
    %sub3A_144 = arith.subf %add3A_142, %slice3A_143 : vector<1024x128xf32>
    %lt3A_145 = arith.cmpf olt, %sub3A_144, %select_n3A_133 : vector<1024x128xf32>
    %select_n3A_146 = arith.select %lt3A_145, %sub3A_144, %select_n3A_133 : vector<1024x128xi1>, vector<1024x128xf32>
    %jit3A_147 = arith.constant 10 : i32
    %broadcast_in_dim3A_148 = vector.broadcast %jit3A_147 : i32 to vector<1024x128xi32>
    %select_n3A_149 = arith.select %lt3A_145, %broadcast_in_dim3A_148, %select_n3A_136 : vector<1024x128xi1>, vector<1024x128xi32>
    %get3A_150 = arith.constant 0 : index
    %get3A_151 = arith.constant 1408 : index
    %get3A_152 = vector.load %arg4[%get3A_150, %get3A_151] : memref<1x8192xf32, #tpu.memory_space<vmem>>, vector<1x128xf32>
    %add3A_153 = vector.broadcast %get3A_1 : vector<1024x1xf32> to vector<1024x128xf32>
    %add3A_154 = vector.broadcast %get3A_152 : vector<1x128xf32> to vector<1024x128xf32>
    %add3A_155 = arith.addf %add3A_153, %add3A_154 : vector<1024x128xf32>
    %slice3A_156 = vector.extract_strided_slice %dot_general3A_110 {offsets = [0, 384], sizes = [1024, 128], strides = [1, 1]} : vector<1024x1024xf32> to vector<1024x128xf32>
    %sub3A_157 = arith.subf %add3A_155, %slice3A_156 : vector<1024x128xf32>
    %lt3A_158 = arith.cmpf olt, %sub3A_157, %select_n3A_146 : vector<1024x128xf32>
    %select_n3A_159 = arith.select %lt3A_158, %sub3A_157, %select_n3A_146 : vector<1024x128xi1>, vector<1024x128xf32>
    %jit3A_160 = arith.constant 11 : i32
    %broadcast_in_dim3A_161 = vector.broadcast %jit3A_160 : i32 to vector<1024x128xi32>
    %select_n3A_162 = arith.select %lt3A_158, %broadcast_in_dim3A_161, %select_n3A_149 : vector<1024x128xi1>, vector<1024x128xi32>
    %get3A_163 = arith.constant 0 : index
    %get3A_164 = arith.constant 1536 : index
    %get3A_165 = vector.load %arg4[%get3A_163, %get3A_164] : memref<1x8192xf32, #tpu.memory_space<vmem>>, vector<1x128xf32>
    %add3A_166 = vector.broadcast %get3A_1 : vector<1024x1xf32> to vector<1024x128xf32>
    %add3A_167 = vector.broadcast %get3A_165 : vector<1x128xf32> to vector<1024x128xf32>
    %add3A_168 = arith.addf %add3A_166, %add3A_167 : vector<1024x128xf32>
    %slice3A_169 = vector.extract_strided_slice %dot_general3A_110 {offsets = [0, 512], sizes = [1024, 128], strides = [1, 1]} : vector<1024x1024xf32> to vector<1024x128xf32>
    %sub3A_170 = arith.subf %add3A_168, %slice3A_169 : vector<1024x128xf32>
    %lt3A_171 = arith.cmpf olt, %sub3A_170, %select_n3A_159 : vector<1024x128xf32>
    %select_n3A_172 = arith.select %lt3A_171, %sub3A_170, %select_n3A_159 : vector<1024x128xi1>, vector<1024x128xf32>
    %jit3A_173 = arith.constant 12 : i32
    %broadcast_in_dim3A_174 = vector.broadcast %jit3A_173 : i32 to vector<1024x128xi32>
    %select_n3A_175 = arith.select %lt3A_171, %broadcast_in_dim3A_174, %select_n3A_162 : vector<1024x128xi1>, vector<1024x128xi32>
    %get3A_176 = arith.constant 0 : index
    %get3A_177 = arith.constant 1664 : index
    %get3A_178 = vector.load %arg4[%get3A_176, %get3A_177] : memref<1x8192xf32, #tpu.memory_space<vmem>>, vector<1x128xf32>
    %add3A_179 = vector.broadcast %get3A_1 : vector<1024x1xf32> to vector<1024x128xf32>
    %add3A_180 = vector.broadcast %get3A_178 : vector<1x128xf32> to vector<1024x128xf32>
    %add3A_181 = arith.addf %add3A_179, %add3A_180 : vector<1024x128xf32>
    %slice3A_182 = vector.extract_strided_slice %dot_general3A_110 {offsets = [0, 640], sizes = [1024, 128], strides = [1, 1]} : vector<1024x1024xf32> to vector<1024x128xf32>
    %sub3A_183 = arith.subf %add3A_181, %slice3A_182 : vector<1024x128xf32>
    %lt3A_184 = arith.cmpf olt, %sub3A_183, %select_n3A_172 : vector<1024x128xf32>
    %select_n3A_185 = arith.select %lt3A_184, %sub3A_183, %select_n3A_172 : vector<1024x128xi1>, vector<1024x128xf32>
    %jit3A_186 = arith.constant 13 : i32
    %broadcast_in_dim3A_187 = vector.broadcast %jit3A_186 : i32 to vector<1024x128xi32>
    %select_n3A_188 = arith.select %lt3A_184, %broadcast_in_dim3A_187, %select_n3A_175 : vector<1024x128xi1>, vector<1024x128xi32>
    %get3A_189 = arith.constant 0 : index
    %get3A_190 = arith.constant 1792 : index
    %get3A_191 = vector.load %arg4[%get3A_189, %get3A_190] : memref<1x8192xf32, #tpu.memory_space<vmem>>, vector<1x128xf32>
    %add3A_192 = vector.broadcast %get3A_1 : vector<1024x1xf32> to vector<1024x128xf32>
    %add3A_193 = vector.broadcast %get3A_191 : vector<1x128xf32> to vector<1024x128xf32>
    %add3A_194 = arith.addf %add3A_192, %add3A_193 : vector<1024x128xf32>
    %slice3A_195 = vector.extract_strided_slice %dot_general3A_110 {offsets = [0, 768], sizes = [1024, 128], strides = [1, 1]} : vector<1024x1024xf32> to vector<1024x128xf32>
    %sub3A_196 = arith.subf %add3A_194, %slice3A_195 : vector<1024x128xf32>
    %lt3A_197 = arith.cmpf olt, %sub3A_196, %select_n3A_185 : vector<1024x128xf32>
    %select_n3A_198 = arith.select %lt3A_197, %sub3A_196, %select_n3A_185 : vector<1024x128xi1>, vector<1024x128xf32>
    %jit3A_199 = arith.constant 14 : i32
    %broadcast_in_dim3A_200 = vector.broadcast %jit3A_199 : i32 to vector<1024x128xi32>
    %select_n3A_201 = arith.select %lt3A_197, %broadcast_in_dim3A_200, %select_n3A_188 : vector<1024x128xi1>, vector<1024x128xi32>
    %get3A_202 = arith.constant 0 : index
    %get3A_203 = arith.constant 1920 : index
    %get3A_204 = vector.load %arg4[%get3A_202, %get3A_203] : memref<1x8192xf32, #tpu.memory_space<vmem>>, vector<1x128xf32>
    %add3A_205 = vector.broadcast %get3A_1 : vector<1024x1xf32> to vector<1024x128xf32>
    %add3A_206 = vector.broadcast %get3A_204 : vector<1x128xf32> to vector<1024x128xf32>
    %add3A_207 = arith.addf %add3A_205, %add3A_206 : vector<1024x128xf32>
    %slice3A_208 = vector.extract_strided_slice %dot_general3A_110 {offsets = [0, 896], sizes = [1024, 128], strides = [1, 1]} : vector<1024x1024xf32> to vector<1024x128xf32>
    %sub3A_209 = arith.subf %add3A_207, %slice3A_208 : vector<1024x128xf32>
    %lt3A_210 = arith.cmpf olt, %sub3A_209, %select_n3A_198 : vector<1024x128xf32>
    %select_n3A_211 = arith.select %lt3A_210, %sub3A_209, %select_n3A_198 : vector<1024x128xi1>, vector<1024x128xf32>
    %jit3A_212 = arith.constant 15 : i32
    %broadcast_in_dim3A_213 = vector.broadcast %jit3A_212 : i32 to vector<1024x128xi32>
    %select_n3A_214 = arith.select %lt3A_210, %broadcast_in_dim3A_213, %select_n3A_201 : vector<1024x128xi1>, vector<1024x128xi32>
    %get3A_215 = arith.constant 0 : index
    %get3A_216 = arith.constant 0 : index
    %get3A_217 = vector.load %arg2[%get3A_215, %get3A_216] : memref<1024x32xf32, #tpu.memory_space<vmem>>, vector<1024x32xf32>
    %get3A_218 = arith.constant 0 : index
    %get3A_219 = arith.constant 2048 : index
    %get3A_220 = vector.load %arg3[%get3A_218, %get3A_219] : memref<32x8192xf32, #tpu.memory_space<vmem>>, vector<32x1024xf32>
    %dot_general3A_221 = arith.constant dense<0.000000e+00> : vector<1024x1024xf32>
    %dot_general3A_222 = tpu.matmul %get3A_217, %get3A_220, %dot_general3A_221 {dimension_numbers = #tpu.dot_dimension_numbers<[1], [0], [0], [1], [0, 0, 1, 1], [], []>, transpose_lhs_hint = false} : vector<1024x32xf32>, vector<32x1024xf32>, vector<1024x1024xf32> -> vector<1024x1024xf32>
    %get3A_223 = arith.constant 0 : index
    %get3A_224 = arith.constant 2048 : index
    %get3A_225 = vector.load %arg4[%get3A_223, %get3A_224] : memref<1x8192xf32, #tpu.memory_space<vmem>>, vector<1x128xf32>
    %add3A_226 = vector.broadcast %get3A_1 : vector<1024x1xf32> to vector<1024x128xf32>
    %add3A_227 = vector.broadcast %get3A_225 : vector<1x128xf32> to vector<1024x128xf32>
    %add3A_228 = arith.addf %add3A_226, %add3A_227 : vector<1024x128xf32>
    %slice3A_229 = vector.extract_strided_slice %dot_general3A_222 {offsets = [0, 0], sizes = [1024, 128], strides = [1, 1]} : vector<1024x1024xf32> to vector<1024x128xf32>
    %sub3A_230 = arith.subf %add3A_228, %slice3A_229 : vector<1024x128xf32>
    %lt3A_231 = arith.cmpf olt, %sub3A_230, %select_n3A_211 : vector<1024x128xf32>
    %select_n3A_232 = arith.select %lt3A_231, %sub3A_230, %select_n3A_211 : vector<1024x128xi1>, vector<1024x128xf32>
    %jit3A_233 = arith.constant 16 : i32
    %broadcast_in_dim3A_234 = vector.broadcast %jit3A_233 : i32 to vector<1024x128xi32>
    %select_n3A_235 = arith.select %lt3A_231, %broadcast_in_dim3A_234, %select_n3A_214 : vector<1024x128xi1>, vector<1024x128xi32>
    %get3A_236 = arith.constant 0 : index
    %get3A_237 = arith.constant 2176 : index
    %get3A_238 = vector.load %arg4[%get3A_236, %get3A_237] : memref<1x8192xf32, #tpu.memory_space<vmem>>, vector<1x128xf32>
    %add3A_239 = vector.broadcast %get3A_1 : vector<1024x1xf32> to vector<1024x128xf32>
    %add3A_240 = vector.broadcast %get3A_238 : vector<1x128xf32> to vector<1024x128xf32>
    %add3A_241 = arith.addf %add3A_239, %add3A_240 : vector<1024x128xf32>
    %slice3A_242 = vector.extract_strided_slice %dot_general3A_222 {offsets = [0, 128], sizes = [1024, 128], strides = [1, 1]} : vector<1024x1024xf32> to vector<1024x128xf32>
    %sub3A_243 = arith.subf %add3A_241, %slice3A_242 : vector<1024x128xf32>
    %lt3A_244 = arith.cmpf olt, %sub3A_243, %select_n3A_232 : vector<1024x128xf32>
    %select_n3A_245 = arith.select %lt3A_244, %sub3A_243, %select_n3A_232 : vector<1024x128xi1>, vector<1024x128xf32>
    %jit3A_246 = arith.constant 17 : i32
    %broadcast_in_dim3A_247 = vector.broadcast %jit3A_246 : i32 to vector<1024x128xi32>
    %select_n3A_248 = arith.select %lt3A_244, %broadcast_in_dim3A_247, %select_n3A_235 : vector<1024x128xi1>, vector<1024x128xi32>
    %get3A_249 = arith.constant 0 : index
    %get3A_250 = arith.constant 2304 : index
    %get3A_251 = vector.load %arg4[%get3A_249, %get3A_250] : memref<1x8192xf32, #tpu.memory_space<vmem>>, vector<1x128xf32>
    %add3A_252 = vector.broadcast %get3A_1 : vector<1024x1xf32> to vector<1024x128xf32>
    %add3A_253 = vector.broadcast %get3A_251 : vector<1x128xf32> to vector<1024x128xf32>
    %add3A_254 = arith.addf %add3A_252, %add3A_253 : vector<1024x128xf32>
    %slice3A_255 = vector.extract_strided_slice %dot_general3A_222 {offsets = [0, 256], sizes = [1024, 128], strides = [1, 1]} : vector<1024x1024xf32> to vector<1024x128xf32>
    %sub3A_256 = arith.subf %add3A_254, %slice3A_255 : vector<1024x128xf32>
    %lt3A_257 = arith.cmpf olt, %sub3A_256, %select_n3A_245 : vector<1024x128xf32>
    %select_n3A_258 = arith.select %lt3A_257, %sub3A_256, %select_n3A_245 : vector<1024x128xi1>, vector<1024x128xf32>
    %jit3A_259 = arith.constant 18 : i32
    %broadcast_in_dim3A_260 = vector.broadcast %jit3A_259 : i32 to vector<1024x128xi32>
    %select_n3A_261 = arith.select %lt3A_257, %broadcast_in_dim3A_260, %select_n3A_248 : vector<1024x128xi1>, vector<1024x128xi32>
    %get3A_262 = arith.constant 0 : index
    %get3A_263 = arith.constant 2432 : index
    %get3A_264 = vector.load %arg4[%get3A_262, %get3A_263] : memref<1x8192xf32, #tpu.memory_space<vmem>>, vector<1x128xf32>
    %add3A_265 = vector.broadcast %get3A_1 : vector<1024x1xf32> to vector<1024x128xf32>
    %add3A_266 = vector.broadcast %get3A_264 : vector<1x128xf32> to vector<1024x128xf32>
    %add3A_267 = arith.addf %add3A_265, %add3A_266 : vector<1024x128xf32>
    %slice3A_268 = vector.extract_strided_slice %dot_general3A_222 {offsets = [0, 384], sizes = [1024, 128], strides = [1, 1]} : vector<1024x1024xf32> to vector<1024x128xf32>
    %sub3A_269 = arith.subf %add3A_267, %slice3A_268 : vector<1024x128xf32>
    %lt3A_270 = arith.cmpf olt, %sub3A_269, %select_n3A_258 : vector<1024x128xf32>
    %select_n3A_271 = arith.select %lt3A_270, %sub3A_269, %select_n3A_258 : vector<1024x128xi1>, vector<1024x128xf32>
    %jit3A_272 = arith.constant 19 : i32
    %broadcast_in_dim3A_273 = vector.broadcast %jit3A_272 : i32 to vector<1024x128xi32>
    %select_n3A_274 = arith.select %lt3A_270, %broadcast_in_dim3A_273, %select_n3A_261 : vector<1024x128xi1>, vector<1024x128xi32>
    %get3A_275 = arith.constant 0 : index
    %get3A_276 = arith.constant 2560 : index
    %get3A_277 = vector.load %arg4[%get3A_275, %get3A_276] : memref<1x8192xf32, #tpu.memory_space<vmem>>, vector<1x128xf32>
    %add3A_278 = vector.broadcast %get3A_1 : vector<1024x1xf32> to vector<1024x128xf32>
    %add3A_279 = vector.broadcast %get3A_277 : vector<1x128xf32> to vector<1024x128xf32>
    %add3A_280 = arith.addf %add3A_278, %add3A_279 : vector<1024x128xf32>
    %slice3A_281 = vector.extract_strided_slice %dot_general3A_222 {offsets = [0, 512], sizes = [1024, 128], strides = [1, 1]} : vector<1024x1024xf32> to vector<1024x128xf32>
    %sub3A_282 = arith.subf %add3A_280, %slice3A_281 : vector<1024x128xf32>
    %lt3A_283 = arith.cmpf olt, %sub3A_282, %select_n3A_271 : vector<1024x128xf32>
    %select_n3A_284 = arith.select %lt3A_283, %sub3A_282, %select_n3A_271 : vector<1024x128xi1>, vector<1024x128xf32>
    %jit3A_285 = arith.constant 20 : i32
    %broadcast_in_dim3A_286 = vector.broadcast %jit3A_285 : i32 to vector<1024x128xi32>
    %select_n3A_287 = arith.select %lt3A_283, %broadcast_in_dim3A_286, %select_n3A_274 : vector<1024x128xi1>, vector<1024x128xi32>
    %get3A_288 = arith.constant 0 : index
    %get3A_289 = arith.constant 2688 : index
    %get3A_290 = vector.load %arg4[%get3A_288, %get3A_289] : memref<1x8192xf32, #tpu.memory_space<vmem>>, vector<1x128xf32>
    %add3A_291 = vector.broadcast %get3A_1 : vector<1024x1xf32> to vector<1024x128xf32>
    %add3A_292 = vector.broadcast %get3A_290 : vector<1x128xf32> to vector<1024x128xf32>
    %add3A_293 = arith.addf %add3A_291, %add3A_292 : vector<1024x128xf32>
    %slice3A_294 = vector.extract_strided_slice %dot_general3A_222 {offsets = [0, 640], sizes = [1024, 128], strides = [1, 1]} : vector<1024x1024xf32> to vector<1024x128xf32>
    %sub3A_295 = arith.subf %add3A_293, %slice3A_294 : vector<1024x128xf32>
    %lt3A_296 = arith.cmpf olt, %sub3A_295, %select_n3A_284 : vector<1024x128xf32>
    %select_n3A_297 = arith.select %lt3A_296, %sub3A_295, %select_n3A_284 : vector<1024x128xi1>, vector<1024x128xf32>
    %jit3A_298 = arith.constant 21 : i32
    %broadcast_in_dim3A_299 = vector.broadcast %jit3A_298 : i32 to vector<1024x128xi32>
    %select_n3A_300 = arith.select %lt3A_296, %broadcast_in_dim3A_299, %select_n3A_287 : vector<1024x128xi1>, vector<1024x128xi32>
    %get3A_301 = arith.constant 0 : index
    %get3A_302 = arith.constant 2816 : index
    %get3A_303 = vector.load %arg4[%get3A_301, %get3A_302] : memref<1x8192xf32, #tpu.memory_space<vmem>>, vector<1x128xf32>
    %add3A_304 = vector.broadcast %get3A_1 : vector<1024x1xf32> to vector<1024x128xf32>
    %add3A_305 = vector.broadcast %get3A_303 : vector<1x128xf32> to vector<1024x128xf32>
    %add3A_306 = arith.addf %add3A_304, %add3A_305 : vector<1024x128xf32>
    %slice3A_307 = vector.extract_strided_slice %dot_general3A_222 {offsets = [0, 768], sizes = [1024, 128], strides = [1, 1]} : vector<1024x1024xf32> to vector<1024x128xf32>
    %sub3A_308 = arith.subf %add3A_306, %slice3A_307 : vector<1024x128xf32>
    %lt3A_309 = arith.cmpf olt, %sub3A_308, %select_n3A_297 : vector<1024x128xf32>
    %select_n3A_310 = arith.select %lt3A_309, %sub3A_308, %select_n3A_297 : vector<1024x128xi1>, vector<1024x128xf32>
    %jit3A_311 = arith.constant 22 : i32
    %broadcast_in_dim3A_312 = vector.broadcast %jit3A_311 : i32 to vector<1024x128xi32>
    %select_n3A_313 = arith.select %lt3A_309, %broadcast_in_dim3A_312, %select_n3A_300 : vector<1024x128xi1>, vector<1024x128xi32>
    %get3A_314 = arith.constant 0 : index
    %get3A_315 = arith.constant 2944 : index
    %get3A_316 = vector.load %arg4[%get3A_314, %get3A_315] : memref<1x8192xf32, #tpu.memory_space<vmem>>, vector<1x128xf32>
    %add3A_317 = vector.broadcast %get3A_1 : vector<1024x1xf32> to vector<1024x128xf32>
    %add3A_318 = vector.broadcast %get3A_316 : vector<1x128xf32> to vector<1024x128xf32>
    %add3A_319 = arith.addf %add3A_317, %add3A_318 : vector<1024x128xf32>
    %slice3A_320 = vector.extract_strided_slice %dot_general3A_222 {offsets = [0, 896], sizes = [1024, 128], strides = [1, 1]} : vector<1024x1024xf32> to vector<1024x128xf32>
    %sub3A_321 = arith.subf %add3A_319, %slice3A_320 : vector<1024x128xf32>
    %lt3A_322 = arith.cmpf olt, %sub3A_321, %select_n3A_310 : vector<1024x128xf32>
    %select_n3A_323 = arith.select %lt3A_322, %sub3A_321, %select_n3A_310 : vector<1024x128xi1>, vector<1024x128xf32>
    %jit3A_324 = arith.constant 23 : i32
    %broadcast_in_dim3A_325 = vector.broadcast %jit3A_324 : i32 to vector<1024x128xi32>
    %select_n3A_326 = arith.select %lt3A_322, %broadcast_in_dim3A_325, %select_n3A_313 : vector<1024x128xi1>, vector<1024x128xi32>
    %get3A_327 = arith.constant 0 : index
    %get3A_328 = arith.constant 0 : index
    %get3A_329 = vector.load %arg2[%get3A_327, %get3A_328] : memref<1024x32xf32, #tpu.memory_space<vmem>>, vector<1024x32xf32>
    %get3A_330 = arith.constant 0 : index
    %get3A_331 = arith.constant 3072 : index
    %get3A_332 = vector.load %arg3[%get3A_330, %get3A_331] : memref<32x8192xf32, #tpu.memory_space<vmem>>, vector<32x1024xf32>
    %dot_general3A_333 = arith.constant dense<0.000000e+00> : vector<1024x1024xf32>
    %dot_general3A_334 = tpu.matmul %get3A_329, %get3A_332, %dot_general3A_333 {dimension_numbers = #tpu.dot_dimension_numbers<[1], [0], [0], [1], [0, 0, 1, 1], [], []>, transpose_lhs_hint = false} : vector<1024x32xf32>, vector<32x1024xf32>, vector<1024x1024xf32> -> vector<1024x1024xf32>
    %get3A_335 = arith.constant 0 : index
    %get3A_336 = arith.constant 3072 : index
    %get3A_337 = vector.load %arg4[%get3A_335, %get3A_336] : memref<1x8192xf32, #tpu.memory_space<vmem>>, vector<1x128xf32>
    %add3A_338 = vector.broadcast %get3A_1 : vector<1024x1xf32> to vector<1024x128xf32>
    %add3A_339 = vector.broadcast %get3A_337 : vector<1x128xf32> to vector<1024x128xf32>
    %add3A_340 = arith.addf %add3A_338, %add3A_339 : vector<1024x128xf32>
    %slice3A_341 = vector.extract_strided_slice %dot_general3A_334 {offsets = [0, 0], sizes = [1024, 128], strides = [1, 1]} : vector<1024x1024xf32> to vector<1024x128xf32>
    %sub3A_342 = arith.subf %add3A_340, %slice3A_341 : vector<1024x128xf32>
    %lt3A_343 = arith.cmpf olt, %sub3A_342, %select_n3A_323 : vector<1024x128xf32>
    %select_n3A_344 = arith.select %lt3A_343, %sub3A_342, %select_n3A_323 : vector<1024x128xi1>, vector<1024x128xf32>
    %jit3A_345 = arith.constant 24 : i32
    %broadcast_in_dim3A_346 = vector.broadcast %jit3A_345 : i32 to vector<1024x128xi32>
    %select_n3A_347 = arith.select %lt3A_343, %broadcast_in_dim3A_346, %select_n3A_326 : vector<1024x128xi1>, vector<1024x128xi32>
    %get3A_348 = arith.constant 0 : index
    %get3A_349 = arith.constant 3200 : index
    %get3A_350 = vector.load %arg4[%get3A_348, %get3A_349] : memref<1x8192xf32, #tpu.memory_space<vmem>>, vector<1x128xf32>
    %add3A_351 = vector.broadcast %get3A_1 : vector<1024x1xf32> to vector<1024x128xf32>
    %add3A_352 = vector.broadcast %get3A_350 : vector<1x128xf32> to vector<1024x128xf32>
    %add3A_353 = arith.addf %add3A_351, %add3A_352 : vector<1024x128xf32>
    %slice3A_354 = vector.extract_strided_slice %dot_general3A_334 {offsets = [0, 128], sizes = [1024, 128], strides = [1, 1]} : vector<1024x1024xf32> to vector<1024x128xf32>
    %sub3A_355 = arith.subf %add3A_353, %slice3A_354 : vector<1024x128xf32>
    %lt3A_356 = arith.cmpf olt, %sub3A_355, %select_n3A_344 : vector<1024x128xf32>
    %select_n3A_357 = arith.select %lt3A_356, %sub3A_355, %select_n3A_344 : vector<1024x128xi1>, vector<1024x128xf32>
    %jit3A_358 = arith.constant 25 : i32
    %broadcast_in_dim3A_359 = vector.broadcast %jit3A_358 : i32 to vector<1024x128xi32>
    %select_n3A_360 = arith.select %lt3A_356, %broadcast_in_dim3A_359, %select_n3A_347 : vector<1024x128xi1>, vector<1024x128xi32>
    %get3A_361 = arith.constant 0 : index
    %get3A_362 = arith.constant 3328 : index
    %get3A_363 = vector.load %arg4[%get3A_361, %get3A_362] : memref<1x8192xf32, #tpu.memory_space<vmem>>, vector<1x128xf32>
    %add3A_364 = vector.broadcast %get3A_1 : vector<1024x1xf32> to vector<1024x128xf32>
    %add3A_365 = vector.broadcast %get3A_363 : vector<1x128xf32> to vector<1024x128xf32>
    %add3A_366 = arith.addf %add3A_364, %add3A_365 : vector<1024x128xf32>
    %slice3A_367 = vector.extract_strided_slice %dot_general3A_334 {offsets = [0, 256], sizes = [1024, 128], strides = [1, 1]} : vector<1024x1024xf32> to vector<1024x128xf32>
    %sub3A_368 = arith.subf %add3A_366, %slice3A_367 : vector<1024x128xf32>
    %lt3A_369 = arith.cmpf olt, %sub3A_368, %select_n3A_357 : vector<1024x128xf32>
    %select_n3A_370 = arith.select %lt3A_369, %sub3A_368, %select_n3A_357 : vector<1024x128xi1>, vector<1024x128xf32>
    %jit3A_371 = arith.constant 26 : i32
    %broadcast_in_dim3A_372 = vector.broadcast %jit3A_371 : i32 to vector<1024x128xi32>
    %select_n3A_373 = arith.select %lt3A_369, %broadcast_in_dim3A_372, %select_n3A_360 : vector<1024x128xi1>, vector<1024x128xi32>
    %get3A_374 = arith.constant 0 : index
    %get3A_375 = arith.constant 3456 : index
    %get3A_376 = vector.load %arg4[%get3A_374, %get3A_375] : memref<1x8192xf32, #tpu.memory_space<vmem>>, vector<1x128xf32>
    %add3A_377 = vector.broadcast %get3A_1 : vector<1024x1xf32> to vector<1024x128xf32>
    %add3A_378 = vector.broadcast %get3A_376 : vector<1x128xf32> to vector<1024x128xf32>
    %add3A_379 = arith.addf %add3A_377, %add3A_378 : vector<1024x128xf32>
    %slice3A_380 = vector.extract_strided_slice %dot_general3A_334 {offsets = [0, 384], sizes = [1024, 128], strides = [1, 1]} : vector<1024x1024xf32> to vector<1024x128xf32>
    %sub3A_381 = arith.subf %add3A_379, %slice3A_380 : vector<1024x128xf32>
    %lt3A_382 = arith.cmpf olt, %sub3A_381, %select_n3A_370 : vector<1024x128xf32>
    %select_n3A_383 = arith.select %lt3A_382, %sub3A_381, %select_n3A_370 : vector<1024x128xi1>, vector<1024x128xf32>
    %jit3A_384 = arith.constant 27 : i32
    %broadcast_in_dim3A_385 = vector.broadcast %jit3A_384 : i32 to vector<1024x128xi32>
    %select_n3A_386 = arith.select %lt3A_382, %broadcast_in_dim3A_385, %select_n3A_373 : vector<1024x128xi1>, vector<1024x128xi32>
    %get3A_387 = arith.constant 0 : index
    %get3A_388 = arith.constant 3584 : index
    %get3A_389 = vector.load %arg4[%get3A_387, %get3A_388] : memref<1x8192xf32, #tpu.memory_space<vmem>>, vector<1x128xf32>
    %add3A_390 = vector.broadcast %get3A_1 : vector<1024x1xf32> to vector<1024x128xf32>
    %add3A_391 = vector.broadcast %get3A_389 : vector<1x128xf32> to vector<1024x128xf32>
    %add3A_392 = arith.addf %add3A_390, %add3A_391 : vector<1024x128xf32>
    %slice3A_393 = vector.extract_strided_slice %dot_general3A_334 {offsets = [0, 512], sizes = [1024, 128], strides = [1, 1]} : vector<1024x1024xf32> to vector<1024x128xf32>
    %sub3A_394 = arith.subf %add3A_392, %slice3A_393 : vector<1024x128xf32>
    %lt3A_395 = arith.cmpf olt, %sub3A_394, %select_n3A_383 : vector<1024x128xf32>
    %select_n3A_396 = arith.select %lt3A_395, %sub3A_394, %select_n3A_383 : vector<1024x128xi1>, vector<1024x128xf32>
    %jit3A_397 = arith.constant 28 : i32
    %broadcast_in_dim3A_398 = vector.broadcast %jit3A_397 : i32 to vector<1024x128xi32>
    %select_n3A_399 = arith.select %lt3A_395, %broadcast_in_dim3A_398, %select_n3A_386 : vector<1024x128xi1>, vector<1024x128xi32>
    %get3A_400 = arith.constant 0 : index
    %get3A_401 = arith.constant 3712 : index
    %get3A_402 = vector.load %arg4[%get3A_400, %get3A_401] : memref<1x8192xf32, #tpu.memory_space<vmem>>, vector<1x128xf32>
    %add3A_403 = vector.broadcast %get3A_1 : vector<1024x1xf32> to vector<1024x128xf32>
    %add3A_404 = vector.broadcast %get3A_402 : vector<1x128xf32> to vector<1024x128xf32>
    %add3A_405 = arith.addf %add3A_403, %add3A_404 : vector<1024x128xf32>
    %slice3A_406 = vector.extract_strided_slice %dot_general3A_334 {offsets = [0, 640], sizes = [1024, 128], strides = [1, 1]} : vector<1024x1024xf32> to vector<1024x128xf32>
    %sub3A_407 = arith.subf %add3A_405, %slice3A_406 : vector<1024x128xf32>
    %lt3A_408 = arith.cmpf olt, %sub3A_407, %select_n3A_396 : vector<1024x128xf32>
    %select_n3A_409 = arith.select %lt3A_408, %sub3A_407, %select_n3A_396 : vector<1024x128xi1>, vector<1024x128xf32>
    %jit3A_410 = arith.constant 29 : i32
    %broadcast_in_dim3A_411 = vector.broadcast %jit3A_410 : i32 to vector<1024x128xi32>
    %select_n3A_412 = arith.select %lt3A_408, %broadcast_in_dim3A_411, %select_n3A_399 : vector<1024x128xi1>, vector<1024x128xi32>
    %get3A_413 = arith.constant 0 : index
    %get3A_414 = arith.constant 3840 : index
    %get3A_415 = vector.load %arg4[%get3A_413, %get3A_414] : memref<1x8192xf32, #tpu.memory_space<vmem>>, vector<1x128xf32>
    %add3A_416 = vector.broadcast %get3A_1 : vector<1024x1xf32> to vector<1024x128xf32>
    %add3A_417 = vector.broadcast %get3A_415 : vector<1x128xf32> to vector<1024x128xf32>
    %add3A_418 = arith.addf %add3A_416, %add3A_417 : vector<1024x128xf32>
    %slice3A_419 = vector.extract_strided_slice %dot_general3A_334 {offsets = [0, 768], sizes = [1024, 128], strides = [1, 1]} : vector<1024x1024xf32> to vector<1024x128xf32>
    %sub3A_420 = arith.subf %add3A_418, %slice3A_419 : vector<1024x128xf32>
    %lt3A_421 = arith.cmpf olt, %sub3A_420, %select_n3A_409 : vector<1024x128xf32>
    %select_n3A_422 = arith.select %lt3A_421, %sub3A_420, %select_n3A_409 : vector<1024x128xi1>, vector<1024x128xf32>
    %jit3A_423 = arith.constant 30 : i32
    %broadcast_in_dim3A_424 = vector.broadcast %jit3A_423 : i32 to vector<1024x128xi32>
    %select_n3A_425 = arith.select %lt3A_421, %broadcast_in_dim3A_424, %select_n3A_412 : vector<1024x128xi1>, vector<1024x128xi32>
    %get3A_426 = arith.constant 0 : index
    %get3A_427 = arith.constant 3968 : index
    %get3A_428 = vector.load %arg4[%get3A_426, %get3A_427] : memref<1x8192xf32, #tpu.memory_space<vmem>>, vector<1x128xf32>
    %add3A_429 = vector.broadcast %get3A_1 : vector<1024x1xf32> to vector<1024x128xf32>
    %add3A_430 = vector.broadcast %get3A_428 : vector<1x128xf32> to vector<1024x128xf32>
    %add3A_431 = arith.addf %add3A_429, %add3A_430 : vector<1024x128xf32>
    %slice3A_432 = vector.extract_strided_slice %dot_general3A_334 {offsets = [0, 896], sizes = [1024, 128], strides = [1, 1]} : vector<1024x1024xf32> to vector<1024x128xf32>
    %sub3A_433 = arith.subf %add3A_431, %slice3A_432 : vector<1024x128xf32>
    %lt3A_434 = arith.cmpf olt, %sub3A_433, %select_n3A_422 : vector<1024x128xf32>
    %select_n3A_435 = arith.select %lt3A_434, %sub3A_433, %select_n3A_422 : vector<1024x128xi1>, vector<1024x128xf32>
    %jit3A_436 = arith.constant 31 : i32
    %broadcast_in_dim3A_437 = vector.broadcast %jit3A_436 : i32 to vector<1024x128xi32>
    %select_n3A_438 = arith.select %lt3A_434, %broadcast_in_dim3A_437, %select_n3A_425 : vector<1024x128xi1>, vector<1024x128xi32>
    %get3A_439 = arith.constant 0 : index
    %get3A_440 = arith.constant 0 : index
    %get3A_441 = vector.load %arg2[%get3A_439, %get3A_440] : memref<1024x32xf32, #tpu.memory_space<vmem>>, vector<1024x32xf32>
    %get3A_442 = arith.constant 0 : index
    %get3A_443 = arith.constant 4096 : index
    %get3A_444 = vector.load %arg3[%get3A_442, %get3A_443] : memref<32x8192xf32, #tpu.memory_space<vmem>>, vector<32x1024xf32>
    %dot_general3A_445 = arith.constant dense<0.000000e+00> : vector<1024x1024xf32>
    %dot_general3A_446 = tpu.matmul %get3A_441, %get3A_444, %dot_general3A_445 {dimension_numbers = #tpu.dot_dimension_numbers<[1], [0], [0], [1], [0, 0, 1, 1], [], []>, transpose_lhs_hint = false} : vector<1024x32xf32>, vector<32x1024xf32>, vector<1024x1024xf32> -> vector<1024x1024xf32>
    %get3A_447 = arith.constant 0 : index
    %get3A_448 = arith.constant 4096 : index
    %get3A_449 = vector.load %arg4[%get3A_447, %get3A_448] : memref<1x8192xf32, #tpu.memory_space<vmem>>, vector<1x128xf32>
    %add3A_450 = vector.broadcast %get3A_1 : vector<1024x1xf32> to vector<1024x128xf32>
    %add3A_451 = vector.broadcast %get3A_449 : vector<1x128xf32> to vector<1024x128xf32>
    %add3A_452 = arith.addf %add3A_450, %add3A_451 : vector<1024x128xf32>
    %slice3A_453 = vector.extract_strided_slice %dot_general3A_446 {offsets = [0, 0], sizes = [1024, 128], strides = [1, 1]} : vector<1024x1024xf32> to vector<1024x128xf32>
    %sub3A_454 = arith.subf %add3A_452, %slice3A_453 : vector<1024x128xf32>
    %lt3A_455 = arith.cmpf olt, %sub3A_454, %select_n3A_435 : vector<1024x128xf32>
    %select_n3A_456 = arith.select %lt3A_455, %sub3A_454, %select_n3A_435 : vector<1024x128xi1>, vector<1024x128xf32>
    %jit3A_457 = arith.constant 32 : i32
    %broadcast_in_dim3A_458 = vector.broadcast %jit3A_457 : i32 to vector<1024x128xi32>
    %select_n3A_459 = arith.select %lt3A_455, %broadcast_in_dim3A_458, %select_n3A_438 : vector<1024x128xi1>, vector<1024x128xi32>
    %get3A_460 = arith.constant 0 : index
    %get3A_461 = arith.constant 4224 : index
    %get3A_462 = vector.load %arg4[%get3A_460, %get3A_461] : memref<1x8192xf32, #tpu.memory_space<vmem>>, vector<1x128xf32>
    %add3A_463 = vector.broadcast %get3A_1 : vector<1024x1xf32> to vector<1024x128xf32>
    %add3A_464 = vector.broadcast %get3A_462 : vector<1x128xf32> to vector<1024x128xf32>
    %add3A_465 = arith.addf %add3A_463, %add3A_464 : vector<1024x128xf32>
    %slice3A_466 = vector.extract_strided_slice %dot_general3A_446 {offsets = [0, 128], sizes = [1024, 128], strides = [1, 1]} : vector<1024x1024xf32> to vector<1024x128xf32>
    %sub3A_467 = arith.subf %add3A_465, %slice3A_466 : vector<1024x128xf32>
    %lt3A_468 = arith.cmpf olt, %sub3A_467, %select_n3A_456 : vector<1024x128xf32>
    %select_n3A_469 = arith.select %lt3A_468, %sub3A_467, %select_n3A_456 : vector<1024x128xi1>, vector<1024x128xf32>
    %jit3A_470 = arith.constant 33 : i32
    %broadcast_in_dim3A_471 = vector.broadcast %jit3A_470 : i32 to vector<1024x128xi32>
    %select_n3A_472 = arith.select %lt3A_468, %broadcast_in_dim3A_471, %select_n3A_459 : vector<1024x128xi1>, vector<1024x128xi32>
    %get3A_473 = arith.constant 0 : index
    %get3A_474 = arith.constant 4352 : index
    %get3A_475 = vector.load %arg4[%get3A_473, %get3A_474] : memref<1x8192xf32, #tpu.memory_space<vmem>>, vector<1x128xf32>
    %add3A_476 = vector.broadcast %get3A_1 : vector<1024x1xf32> to vector<1024x128xf32>
    %add3A_477 = vector.broadcast %get3A_475 : vector<1x128xf32> to vector<1024x128xf32>
    %add3A_478 = arith.addf %add3A_476, %add3A_477 : vector<1024x128xf32>
    %slice3A_479 = vector.extract_strided_slice %dot_general3A_446 {offsets = [0, 256], sizes = [1024, 128], strides = [1, 1]} : vector<1024x1024xf32> to vector<1024x128xf32>
    %sub3A_480 = arith.subf %add3A_478, %slice3A_479 : vector<1024x128xf32>
    %lt3A_481 = arith.cmpf olt, %sub3A_480, %select_n3A_469 : vector<1024x128xf32>
    %select_n3A_482 = arith.select %lt3A_481, %sub3A_480, %select_n3A_469 : vector<1024x128xi1>, vector<1024x128xf32>
    %jit3A_483 = arith.constant 34 : i32
    %broadcast_in_dim3A_484 = vector.broadcast %jit3A_483 : i32 to vector<1024x128xi32>
    %select_n3A_485 = arith.select %lt3A_481, %broadcast_in_dim3A_484, %select_n3A_472 : vector<1024x128xi1>, vector<1024x128xi32>
    %get3A_486 = arith.constant 0 : index
    %get3A_487 = arith.constant 4480 : index
    %get3A_488 = vector.load %arg4[%get3A_486, %get3A_487] : memref<1x8192xf32, #tpu.memory_space<vmem>>, vector<1x128xf32>
    %add3A_489 = vector.broadcast %get3A_1 : vector<1024x1xf32> to vector<1024x128xf32>
    %add3A_490 = vector.broadcast %get3A_488 : vector<1x128xf32> to vector<1024x128xf32>
    %add3A_491 = arith.addf %add3A_489, %add3A_490 : vector<1024x128xf32>
    %slice3A_492 = vector.extract_strided_slice %dot_general3A_446 {offsets = [0, 384], sizes = [1024, 128], strides = [1, 1]} : vector<1024x1024xf32> to vector<1024x128xf32>
    %sub3A_493 = arith.subf %add3A_491, %slice3A_492 : vector<1024x128xf32>
    %lt3A_494 = arith.cmpf olt, %sub3A_493, %select_n3A_482 : vector<1024x128xf32>
    %select_n3A_495 = arith.select %lt3A_494, %sub3A_493, %select_n3A_482 : vector<1024x128xi1>, vector<1024x128xf32>
    %jit3A_496 = arith.constant 35 : i32
    %broadcast_in_dim3A_497 = vector.broadcast %jit3A_496 : i32 to vector<1024x128xi32>
    %select_n3A_498 = arith.select %lt3A_494, %broadcast_in_dim3A_497, %select_n3A_485 : vector<1024x128xi1>, vector<1024x128xi32>
    %get3A_499 = arith.constant 0 : index
    %get3A_500 = arith.constant 4608 : index
    %get3A_501 = vector.load %arg4[%get3A_499, %get3A_500] : memref<1x8192xf32, #tpu.memory_space<vmem>>, vector<1x128xf32>
    %add3A_502 = vector.broadcast %get3A_1 : vector<1024x1xf32> to vector<1024x128xf32>
    %add3A_503 = vector.broadcast %get3A_501 : vector<1x128xf32> to vector<1024x128xf32>
    %add3A_504 = arith.addf %add3A_502, %add3A_503 : vector<1024x128xf32>
    %slice3A_505 = vector.extract_strided_slice %dot_general3A_446 {offsets = [0, 512], sizes = [1024, 128], strides = [1, 1]} : vector<1024x1024xf32> to vector<1024x128xf32>
    %sub3A_506 = arith.subf %add3A_504, %slice3A_505 : vector<1024x128xf32>
    %lt3A_507 = arith.cmpf olt, %sub3A_506, %select_n3A_495 : vector<1024x128xf32>
    %select_n3A_508 = arith.select %lt3A_507, %sub3A_506, %select_n3A_495 : vector<1024x128xi1>, vector<1024x128xf32>
    %jit3A_509 = arith.constant 36 : i32
    %broadcast_in_dim3A_510 = vector.broadcast %jit3A_509 : i32 to vector<1024x128xi32>
    %select_n3A_511 = arith.select %lt3A_507, %broadcast_in_dim3A_510, %select_n3A_498 : vector<1024x128xi1>, vector<1024x128xi32>
    %get3A_512 = arith.constant 0 : index
    %get3A_513 = arith.constant 4736 : index
    %get3A_514 = vector.load %arg4[%get3A_512, %get3A_513] : memref<1x8192xf32, #tpu.memory_space<vmem>>, vector<1x128xf32>
    %add3A_515 = vector.broadcast %get3A_1 : vector<1024x1xf32> to vector<1024x128xf32>
    %add3A_516 = vector.broadcast %get3A_514 : vector<1x128xf32> to vector<1024x128xf32>
    %add3A_517 = arith.addf %add3A_515, %add3A_516 : vector<1024x128xf32>
    %slice3A_518 = vector.extract_strided_slice %dot_general3A_446 {offsets = [0, 640], sizes = [1024, 128], strides = [1, 1]} : vector<1024x1024xf32> to vector<1024x128xf32>
    %sub3A_519 = arith.subf %add3A_517, %slice3A_518 : vector<1024x128xf32>
    %lt3A_520 = arith.cmpf olt, %sub3A_519, %select_n3A_508 : vector<1024x128xf32>
    %select_n3A_521 = arith.select %lt3A_520, %sub3A_519, %select_n3A_508 : vector<1024x128xi1>, vector<1024x128xf32>
    %jit3A_522 = arith.constant 37 : i32
    %broadcast_in_dim3A_523 = vector.broadcast %jit3A_522 : i32 to vector<1024x128xi32>
    %select_n3A_524 = arith.select %lt3A_520, %broadcast_in_dim3A_523, %select_n3A_511 : vector<1024x128xi1>, vector<1024x128xi32>
    %get3A_525 = arith.constant 0 : index
    %get3A_526 = arith.constant 4864 : index
    %get3A_527 = vector.load %arg4[%get3A_525, %get3A_526] : memref<1x8192xf32, #tpu.memory_space<vmem>>, vector<1x128xf32>
    %add3A_528 = vector.broadcast %get3A_1 : vector<1024x1xf32> to vector<1024x128xf32>
    %add3A_529 = vector.broadcast %get3A_527 : vector<1x128xf32> to vector<1024x128xf32>
    %add3A_530 = arith.addf %add3A_528, %add3A_529 : vector<1024x128xf32>
    %slice3A_531 = vector.extract_strided_slice %dot_general3A_446 {offsets = [0, 768], sizes = [1024, 128], strides = [1, 1]} : vector<1024x1024xf32> to vector<1024x128xf32>
    %sub3A_532 = arith.subf %add3A_530, %slice3A_531 : vector<1024x128xf32>
    %lt3A_533 = arith.cmpf olt, %sub3A_532, %select_n3A_521 : vector<1024x128xf32>
    %select_n3A_534 = arith.select %lt3A_533, %sub3A_532, %select_n3A_521 : vector<1024x128xi1>, vector<1024x128xf32>
    %jit3A_535 = arith.constant 38 : i32
    %broadcast_in_dim3A_536 = vector.broadcast %jit3A_535 : i32 to vector<1024x128xi32>
    %select_n3A_537 = arith.select %lt3A_533, %broadcast_in_dim3A_536, %select_n3A_524 : vector<1024x128xi1>, vector<1024x128xi32>
    %get3A_538 = arith.constant 0 : index
    %get3A_539 = arith.constant 4992 : index
    %get3A_540 = vector.load %arg4[%get3A_538, %get3A_539] : memref<1x8192xf32, #tpu.memory_space<vmem>>, vector<1x128xf32>
    %add3A_541 = vector.broadcast %get3A_1 : vector<1024x1xf32> to vector<1024x128xf32>
    %add3A_542 = vector.broadcast %get3A_540 : vector<1x128xf32> to vector<1024x128xf32>
    %add3A_543 = arith.addf %add3A_541, %add3A_542 : vector<1024x128xf32>
    %slice3A_544 = vector.extract_strided_slice %dot_general3A_446 {offsets = [0, 896], sizes = [1024, 128], strides = [1, 1]} : vector<1024x1024xf32> to vector<1024x128xf32>
    %sub3A_545 = arith.subf %add3A_543, %slice3A_544 : vector<1024x128xf32>
    %lt3A_546 = arith.cmpf olt, %sub3A_545, %select_n3A_534 : vector<1024x128xf32>
    %select_n3A_547 = arith.select %lt3A_546, %sub3A_545, %select_n3A_534 : vector<1024x128xi1>, vector<1024x128xf32>
    %jit3A_548 = arith.constant 39 : i32
    %broadcast_in_dim3A_549 = vector.broadcast %jit3A_548 : i32 to vector<1024x128xi32>
    %select_n3A_550 = arith.select %lt3A_546, %broadcast_in_dim3A_549, %select_n3A_537 : vector<1024x128xi1>, vector<1024x128xi32>
    %get3A_551 = arith.constant 0 : index
    %get3A_552 = arith.constant 0 : index
    %get3A_553 = vector.load %arg2[%get3A_551, %get3A_552] : memref<1024x32xf32, #tpu.memory_space<vmem>>, vector<1024x32xf32>
    %get3A_554 = arith.constant 0 : index
    %get3A_555 = arith.constant 5120 : index
    %get3A_556 = vector.load %arg3[%get3A_554, %get3A_555] : memref<32x8192xf32, #tpu.memory_space<vmem>>, vector<32x1024xf32>
    %dot_general3A_557 = arith.constant dense<0.000000e+00> : vector<1024x1024xf32>
    %dot_general3A_558 = tpu.matmul %get3A_553, %get3A_556, %dot_general3A_557 {dimension_numbers = #tpu.dot_dimension_numbers<[1], [0], [0], [1], [0, 0, 1, 1], [], []>, transpose_lhs_hint = false} : vector<1024x32xf32>, vector<32x1024xf32>, vector<1024x1024xf32> -> vector<1024x1024xf32>
    %get3A_559 = arith.constant 0 : index
    %get3A_560 = arith.constant 5120 : index
    %get3A_561 = vector.load %arg4[%get3A_559, %get3A_560] : memref<1x8192xf32, #tpu.memory_space<vmem>>, vector<1x128xf32>
    %add3A_562 = vector.broadcast %get3A_1 : vector<1024x1xf32> to vector<1024x128xf32>
    %add3A_563 = vector.broadcast %get3A_561 : vector<1x128xf32> to vector<1024x128xf32>
    %add3A_564 = arith.addf %add3A_562, %add3A_563 : vector<1024x128xf32>
    %slice3A_565 = vector.extract_strided_slice %dot_general3A_558 {offsets = [0, 0], sizes = [1024, 128], strides = [1, 1]} : vector<1024x1024xf32> to vector<1024x128xf32>
    %sub3A_566 = arith.subf %add3A_564, %slice3A_565 : vector<1024x128xf32>
    %lt3A_567 = arith.cmpf olt, %sub3A_566, %select_n3A_547 : vector<1024x128xf32>
    %select_n3A_568 = arith.select %lt3A_567, %sub3A_566, %select_n3A_547 : vector<1024x128xi1>, vector<1024x128xf32>
    %jit3A_569 = arith.constant 40 : i32
    %broadcast_in_dim3A_570 = vector.broadcast %jit3A_569 : i32 to vector<1024x128xi32>
    %select_n3A_571 = arith.select %lt3A_567, %broadcast_in_dim3A_570, %select_n3A_550 : vector<1024x128xi1>, vector<1024x128xi32>
    %get3A_572 = arith.constant 0 : index
    %get3A_573 = arith.constant 5248 : index
    %get3A_574 = vector.load %arg4[%get3A_572, %get3A_573] : memref<1x8192xf32, #tpu.memory_space<vmem>>, vector<1x128xf32>
    %add3A_575 = vector.broadcast %get3A_1 : vector<1024x1xf32> to vector<1024x128xf32>
    %add3A_576 = vector.broadcast %get3A_574 : vector<1x128xf32> to vector<1024x128xf32>
    %add3A_577 = arith.addf %add3A_575, %add3A_576 : vector<1024x128xf32>
    %slice3A_578 = vector.extract_strided_slice %dot_general3A_558 {offsets = [0, 128], sizes = [1024, 128], strides = [1, 1]} : vector<1024x1024xf32> to vector<1024x128xf32>
    %sub3A_579 = arith.subf %add3A_577, %slice3A_578 : vector<1024x128xf32>
    %lt3A_580 = arith.cmpf olt, %sub3A_579, %select_n3A_568 : vector<1024x128xf32>
    %select_n3A_581 = arith.select %lt3A_580, %sub3A_579, %select_n3A_568 : vector<1024x128xi1>, vector<1024x128xf32>
    %jit3A_582 = arith.constant 41 : i32
    %broadcast_in_dim3A_583 = vector.broadcast %jit3A_582 : i32 to vector<1024x128xi32>
    %select_n3A_584 = arith.select %lt3A_580, %broadcast_in_dim3A_583, %select_n3A_571 : vector<1024x128xi1>, vector<1024x128xi32>
    %get3A_585 = arith.constant 0 : index
    %get3A_586 = arith.constant 5376 : index
    %get3A_587 = vector.load %arg4[%get3A_585, %get3A_586] : memref<1x8192xf32, #tpu.memory_space<vmem>>, vector<1x128xf32>
    %add3A_588 = vector.broadcast %get3A_1 : vector<1024x1xf32> to vector<1024x128xf32>
    %add3A_589 = vector.broadcast %get3A_587 : vector<1x128xf32> to vector<1024x128xf32>
    %add3A_590 = arith.addf %add3A_588, %add3A_589 : vector<1024x128xf32>
    %slice3A_591 = vector.extract_strided_slice %dot_general3A_558 {offsets = [0, 256], sizes = [1024, 128], strides = [1, 1]} : vector<1024x1024xf32> to vector<1024x128xf32>
    %sub3A_592 = arith.subf %add3A_590, %slice3A_591 : vector<1024x128xf32>
    %lt3A_593 = arith.cmpf olt, %sub3A_592, %select_n3A_581 : vector<1024x128xf32>
    %select_n3A_594 = arith.select %lt3A_593, %sub3A_592, %select_n3A_581 : vector<1024x128xi1>, vector<1024x128xf32>
    %jit3A_595 = arith.constant 42 : i32
    %broadcast_in_dim3A_596 = vector.broadcast %jit3A_595 : i32 to vector<1024x128xi32>
    %select_n3A_597 = arith.select %lt3A_593, %broadcast_in_dim3A_596, %select_n3A_584 : vector<1024x128xi1>, vector<1024x128xi32>
    %get3A_598 = arith.constant 0 : index
    %get3A_599 = arith.constant 5504 : index
    %get3A_600 = vector.load %arg4[%get3A_598, %get3A_599] : memref<1x8192xf32, #tpu.memory_space<vmem>>, vector<1x128xf32>
    %add3A_601 = vector.broadcast %get3A_1 : vector<1024x1xf32> to vector<1024x128xf32>
    %add3A_602 = vector.broadcast %get3A_600 : vector<1x128xf32> to vector<1024x128xf32>
    %add3A_603 = arith.addf %add3A_601, %add3A_602 : vector<1024x128xf32>
    %slice3A_604 = vector.extract_strided_slice %dot_general3A_558 {offsets = [0, 384], sizes = [1024, 128], strides = [1, 1]} : vector<1024x1024xf32> to vector<1024x128xf32>
    %sub3A_605 = arith.subf %add3A_603, %slice3A_604 : vector<1024x128xf32>
    %lt3A_606 = arith.cmpf olt, %sub3A_605, %select_n3A_594 : vector<1024x128xf32>
    %select_n3A_607 = arith.select %lt3A_606, %sub3A_605, %select_n3A_594 : vector<1024x128xi1>, vector<1024x128xf32>
    %jit3A_608 = arith.constant 43 : i32
    %broadcast_in_dim3A_609 = vector.broadcast %jit3A_608 : i32 to vector<1024x128xi32>
    %select_n3A_610 = arith.select %lt3A_606, %broadcast_in_dim3A_609, %select_n3A_597 : vector<1024x128xi1>, vector<1024x128xi32>
    %get3A_611 = arith.constant 0 : index
    %get3A_612 = arith.constant 5632 : index
    %get3A_613 = vector.load %arg4[%get3A_611, %get3A_612] : memref<1x8192xf32, #tpu.memory_space<vmem>>, vector<1x128xf32>
    %add3A_614 = vector.broadcast %get3A_1 : vector<1024x1xf32> to vector<1024x128xf32>
    %add3A_615 = vector.broadcast %get3A_613 : vector<1x128xf32> to vector<1024x128xf32>
    %add3A_616 = arith.addf %add3A_614, %add3A_615 : vector<1024x128xf32>
    %slice3A_617 = vector.extract_strided_slice %dot_general3A_558 {offsets = [0, 512], sizes = [1024, 128], strides = [1, 1]} : vector<1024x1024xf32> to vector<1024x128xf32>
    %sub3A_618 = arith.subf %add3A_616, %slice3A_617 : vector<1024x128xf32>
    %lt3A_619 = arith.cmpf olt, %sub3A_618, %select_n3A_607 : vector<1024x128xf32>
    %select_n3A_620 = arith.select %lt3A_619, %sub3A_618, %select_n3A_607 : vector<1024x128xi1>, vector<1024x128xf32>
    %jit3A_621 = arith.constant 44 : i32
    %broadcast_in_dim3A_622 = vector.broadcast %jit3A_621 : i32 to vector<1024x128xi32>
    %select_n3A_623 = arith.select %lt3A_619, %broadcast_in_dim3A_622, %select_n3A_610 : vector<1024x128xi1>, vector<1024x128xi32>
    %get3A_624 = arith.constant 0 : index
    %get3A_625 = arith.constant 5760 : index
    %get3A_626 = vector.load %arg4[%get3A_624, %get3A_625] : memref<1x8192xf32, #tpu.memory_space<vmem>>, vector<1x128xf32>
    %add3A_627 = vector.broadcast %get3A_1 : vector<1024x1xf32> to vector<1024x128xf32>
    %add3A_628 = vector.broadcast %get3A_626 : vector<1x128xf32> to vector<1024x128xf32>
    %add3A_629 = arith.addf %add3A_627, %add3A_628 : vector<1024x128xf32>
    %slice3A_630 = vector.extract_strided_slice %dot_general3A_558 {offsets = [0, 640], sizes = [1024, 128], strides = [1, 1]} : vector<1024x1024xf32> to vector<1024x128xf32>
    %sub3A_631 = arith.subf %add3A_629, %slice3A_630 : vector<1024x128xf32>
    %lt3A_632 = arith.cmpf olt, %sub3A_631, %select_n3A_620 : vector<1024x128xf32>
    %select_n3A_633 = arith.select %lt3A_632, %sub3A_631, %select_n3A_620 : vector<1024x128xi1>, vector<1024x128xf32>
    %jit3A_634 = arith.constant 45 : i32
    %broadcast_in_dim3A_635 = vector.broadcast %jit3A_634 : i32 to vector<1024x128xi32>
    %select_n3A_636 = arith.select %lt3A_632, %broadcast_in_dim3A_635, %select_n3A_623 : vector<1024x128xi1>, vector<1024x128xi32>
    %get3A_637 = arith.constant 0 : index
    %get3A_638 = arith.constant 5888 : index
    %get3A_639 = vector.load %arg4[%get3A_637, %get3A_638] : memref<1x8192xf32, #tpu.memory_space<vmem>>, vector<1x128xf32>
    %add3A_640 = vector.broadcast %get3A_1 : vector<1024x1xf32> to vector<1024x128xf32>
    %add3A_641 = vector.broadcast %get3A_639 : vector<1x128xf32> to vector<1024x128xf32>
    %add3A_642 = arith.addf %add3A_640, %add3A_641 : vector<1024x128xf32>
    %slice3A_643 = vector.extract_strided_slice %dot_general3A_558 {offsets = [0, 768], sizes = [1024, 128], strides = [1, 1]} : vector<1024x1024xf32> to vector<1024x128xf32>
    %sub3A_644 = arith.subf %add3A_642, %slice3A_643 : vector<1024x128xf32>
    %lt3A_645 = arith.cmpf olt, %sub3A_644, %select_n3A_633 : vector<1024x128xf32>
    %select_n3A_646 = arith.select %lt3A_645, %sub3A_644, %select_n3A_633 : vector<1024x128xi1>, vector<1024x128xf32>
    %jit3A_647 = arith.constant 46 : i32
    %broadcast_in_dim3A_648 = vector.broadcast %jit3A_647 : i32 to vector<1024x128xi32>
    %select_n3A_649 = arith.select %lt3A_645, %broadcast_in_dim3A_648, %select_n3A_636 : vector<1024x128xi1>, vector<1024x128xi32>
    %get3A_650 = arith.constant 0 : index
    %get3A_651 = arith.constant 6016 : index
    %get3A_652 = vector.load %arg4[%get3A_650, %get3A_651] : memref<1x8192xf32, #tpu.memory_space<vmem>>, vector<1x128xf32>
    %add3A_653 = vector.broadcast %get3A_1 : vector<1024x1xf32> to vector<1024x128xf32>
    %add3A_654 = vector.broadcast %get3A_652 : vector<1x128xf32> to vector<1024x128xf32>
    %add3A_655 = arith.addf %add3A_653, %add3A_654 : vector<1024x128xf32>
    %slice3A_656 = vector.extract_strided_slice %dot_general3A_558 {offsets = [0, 896], sizes = [1024, 128], strides = [1, 1]} : vector<1024x1024xf32> to vector<1024x128xf32>
    %sub3A_657 = arith.subf %add3A_655, %slice3A_656 : vector<1024x128xf32>
    %lt3A_658 = arith.cmpf olt, %sub3A_657, %select_n3A_646 : vector<1024x128xf32>
    %select_n3A_659 = arith.select %lt3A_658, %sub3A_657, %select_n3A_646 : vector<1024x128xi1>, vector<1024x128xf32>
    %jit3A_660 = arith.constant 47 : i32
    %broadcast_in_dim3A_661 = vector.broadcast %jit3A_660 : i32 to vector<1024x128xi32>
    %select_n3A_662 = arith.select %lt3A_658, %broadcast_in_dim3A_661, %select_n3A_649 : vector<1024x128xi1>, vector<1024x128xi32>
    %get3A_663 = arith.constant 0 : index
    %get3A_664 = arith.constant 0 : index
    %get3A_665 = vector.load %arg2[%get3A_663, %get3A_664] : memref<1024x32xf32, #tpu.memory_space<vmem>>, vector<1024x32xf32>
    %get3A_666 = arith.constant 0 : index
    %get3A_667 = arith.constant 6144 : index
    %get3A_668 = vector.load %arg3[%get3A_666, %get3A_667] : memref<32x8192xf32, #tpu.memory_space<vmem>>, vector<32x1024xf32>
    %dot_general3A_669 = arith.constant dense<0.000000e+00> : vector<1024x1024xf32>
    %dot_general3A_670 = tpu.matmul %get3A_665, %get3A_668, %dot_general3A_669 {dimension_numbers = #tpu.dot_dimension_numbers<[1], [0], [0], [1], [0, 0, 1, 1], [], []>, transpose_lhs_hint = false} : vector<1024x32xf32>, vector<32x1024xf32>, vector<1024x1024xf32> -> vector<1024x1024xf32>
    %get3A_671 = arith.constant 0 : index
    %get3A_672 = arith.constant 6144 : index
    %get3A_673 = vector.load %arg4[%get3A_671, %get3A_672] : memref<1x8192xf32, #tpu.memory_space<vmem>>, vector<1x128xf32>
    %add3A_674 = vector.broadcast %get3A_1 : vector<1024x1xf32> to vector<1024x128xf32>
    %add3A_675 = vector.broadcast %get3A_673 : vector<1x128xf32> to vector<1024x128xf32>
    %add3A_676 = arith.addf %add3A_674, %add3A_675 : vector<1024x128xf32>
    %slice3A_677 = vector.extract_strided_slice %dot_general3A_670 {offsets = [0, 0], sizes = [1024, 128], strides = [1, 1]} : vector<1024x1024xf32> to vector<1024x128xf32>
    %sub3A_678 = arith.subf %add3A_676, %slice3A_677 : vector<1024x128xf32>
    %lt3A_679 = arith.cmpf olt, %sub3A_678, %select_n3A_659 : vector<1024x128xf32>
    %select_n3A_680 = arith.select %lt3A_679, %sub3A_678, %select_n3A_659 : vector<1024x128xi1>, vector<1024x128xf32>
    %jit3A_681 = arith.constant 48 : i32
    %broadcast_in_dim3A_682 = vector.broadcast %jit3A_681 : i32 to vector<1024x128xi32>
    %select_n3A_683 = arith.select %lt3A_679, %broadcast_in_dim3A_682, %select_n3A_662 : vector<1024x128xi1>, vector<1024x128xi32>
    %get3A_684 = arith.constant 0 : index
    %get3A_685 = arith.constant 6272 : index
    %get3A_686 = vector.load %arg4[%get3A_684, %get3A_685] : memref<1x8192xf32, #tpu.memory_space<vmem>>, vector<1x128xf32>
    %add3A_687 = vector.broadcast %get3A_1 : vector<1024x1xf32> to vector<1024x128xf32>
    %add3A_688 = vector.broadcast %get3A_686 : vector<1x128xf32> to vector<1024x128xf32>
    %add3A_689 = arith.addf %add3A_687, %add3A_688 : vector<1024x128xf32>
    %slice3A_690 = vector.extract_strided_slice %dot_general3A_670 {offsets = [0, 128], sizes = [1024, 128], strides = [1, 1]} : vector<1024x1024xf32> to vector<1024x128xf32>
    %sub3A_691 = arith.subf %add3A_689, %slice3A_690 : vector<1024x128xf32>
    %lt3A_692 = arith.cmpf olt, %sub3A_691, %select_n3A_680 : vector<1024x128xf32>
    %select_n3A_693 = arith.select %lt3A_692, %sub3A_691, %select_n3A_680 : vector<1024x128xi1>, vector<1024x128xf32>
    %jit3A_694 = arith.constant 49 : i32
    %broadcast_in_dim3A_695 = vector.broadcast %jit3A_694 : i32 to vector<1024x128xi32>
    %select_n3A_696 = arith.select %lt3A_692, %broadcast_in_dim3A_695, %select_n3A_683 : vector<1024x128xi1>, vector<1024x128xi32>
    %get3A_697 = arith.constant 0 : index
    %get3A_698 = arith.constant 6400 : index
    %get3A_699 = vector.load %arg4[%get3A_697, %get3A_698] : memref<1x8192xf32, #tpu.memory_space<vmem>>, vector<1x128xf32>
    %add3A_700 = vector.broadcast %get3A_1 : vector<1024x1xf32> to vector<1024x128xf32>
    %add3A_701 = vector.broadcast %get3A_699 : vector<1x128xf32> to vector<1024x128xf32>
    %add3A_702 = arith.addf %add3A_700, %add3A_701 : vector<1024x128xf32>
    %slice3A_703 = vector.extract_strided_slice %dot_general3A_670 {offsets = [0, 256], sizes = [1024, 128], strides = [1, 1]} : vector<1024x1024xf32> to vector<1024x128xf32>
    %sub3A_704 = arith.subf %add3A_702, %slice3A_703 : vector<1024x128xf32>
    %lt3A_705 = arith.cmpf olt, %sub3A_704, %select_n3A_693 : vector<1024x128xf32>
    %select_n3A_706 = arith.select %lt3A_705, %sub3A_704, %select_n3A_693 : vector<1024x128xi1>, vector<1024x128xf32>
    %jit3A_707 = arith.constant 50 : i32
    %broadcast_in_dim3A_708 = vector.broadcast %jit3A_707 : i32 to vector<1024x128xi32>
    %select_n3A_709 = arith.select %lt3A_705, %broadcast_in_dim3A_708, %select_n3A_696 : vector<1024x128xi1>, vector<1024x128xi32>
    %get3A_710 = arith.constant 0 : index
    %get3A_711 = arith.constant 6528 : index
    %get3A_712 = vector.load %arg4[%get3A_710, %get3A_711] : memref<1x8192xf32, #tpu.memory_space<vmem>>, vector<1x128xf32>
    %add3A_713 = vector.broadcast %get3A_1 : vector<1024x1xf32> to vector<1024x128xf32>
    %add3A_714 = vector.broadcast %get3A_712 : vector<1x128xf32> to vector<1024x128xf32>
    %add3A_715 = arith.addf %add3A_713, %add3A_714 : vector<1024x128xf32>
    %slice3A_716 = vector.extract_strided_slice %dot_general3A_670 {offsets = [0, 384], sizes = [1024, 128], strides = [1, 1]} : vector<1024x1024xf32> to vector<1024x128xf32>
    %sub3A_717 = arith.subf %add3A_715, %slice3A_716 : vector<1024x128xf32>
    %lt3A_718 = arith.cmpf olt, %sub3A_717, %select_n3A_706 : vector<1024x128xf32>
    %select_n3A_719 = arith.select %lt3A_718, %sub3A_717, %select_n3A_706 : vector<1024x128xi1>, vector<1024x128xf32>
    %jit3A_720 = arith.constant 51 : i32
    %broadcast_in_dim3A_721 = vector.broadcast %jit3A_720 : i32 to vector<1024x128xi32>
    %select_n3A_722 = arith.select %lt3A_718, %broadcast_in_dim3A_721, %select_n3A_709 : vector<1024x128xi1>, vector<1024x128xi32>
    %get3A_723 = arith.constant 0 : index
    %get3A_724 = arith.constant 6656 : index
    %get3A_725 = vector.load %arg4[%get3A_723, %get3A_724] : memref<1x8192xf32, #tpu.memory_space<vmem>>, vector<1x128xf32>
    %add3A_726 = vector.broadcast %get3A_1 : vector<1024x1xf32> to vector<1024x128xf32>
    %add3A_727 = vector.broadcast %get3A_725 : vector<1x128xf32> to vector<1024x128xf32>
    %add3A_728 = arith.addf %add3A_726, %add3A_727 : vector<1024x128xf32>
    %slice3A_729 = vector.extract_strided_slice %dot_general3A_670 {offsets = [0, 512], sizes = [1024, 128], strides = [1, 1]} : vector<1024x1024xf32> to vector<1024x128xf32>
    %sub3A_730 = arith.subf %add3A_728, %slice3A_729 : vector<1024x128xf32>
    %lt3A_731 = arith.cmpf olt, %sub3A_730, %select_n3A_719 : vector<1024x128xf32>
    %select_n3A_732 = arith.select %lt3A_731, %sub3A_730, %select_n3A_719 : vector<1024x128xi1>, vector<1024x128xf32>
    %jit3A_733 = arith.constant 52 : i32
    %broadcast_in_dim3A_734 = vector.broadcast %jit3A_733 : i32 to vector<1024x128xi32>
    %select_n3A_735 = arith.select %lt3A_731, %broadcast_in_dim3A_734, %select_n3A_722 : vector<1024x128xi1>, vector<1024x128xi32>
    %get3A_736 = arith.constant 0 : index
    %get3A_737 = arith.constant 6784 : index
    %get3A_738 = vector.load %arg4[%get3A_736, %get3A_737] : memref<1x8192xf32, #tpu.memory_space<vmem>>, vector<1x128xf32>
    %add3A_739 = vector.broadcast %get3A_1 : vector<1024x1xf32> to vector<1024x128xf32>
    %add3A_740 = vector.broadcast %get3A_738 : vector<1x128xf32> to vector<1024x128xf32>
    %add3A_741 = arith.addf %add3A_739, %add3A_740 : vector<1024x128xf32>
    %slice3A_742 = vector.extract_strided_slice %dot_general3A_670 {offsets = [0, 640], sizes = [1024, 128], strides = [1, 1]} : vector<1024x1024xf32> to vector<1024x128xf32>
    %sub3A_743 = arith.subf %add3A_741, %slice3A_742 : vector<1024x128xf32>
    %lt3A_744 = arith.cmpf olt, %sub3A_743, %select_n3A_732 : vector<1024x128xf32>
    %select_n3A_745 = arith.select %lt3A_744, %sub3A_743, %select_n3A_732 : vector<1024x128xi1>, vector<1024x128xf32>
    %jit3A_746 = arith.constant 53 : i32
    %broadcast_in_dim3A_747 = vector.broadcast %jit3A_746 : i32 to vector<1024x128xi32>
    %select_n3A_748 = arith.select %lt3A_744, %broadcast_in_dim3A_747, %select_n3A_735 : vector<1024x128xi1>, vector<1024x128xi32>
    %get3A_749 = arith.constant 0 : index
    %get3A_750 = arith.constant 6912 : index
    %get3A_751 = vector.load %arg4[%get3A_749, %get3A_750] : memref<1x8192xf32, #tpu.memory_space<vmem>>, vector<1x128xf32>
    %add3A_752 = vector.broadcast %get3A_1 : vector<1024x1xf32> to vector<1024x128xf32>
    %add3A_753 = vector.broadcast %get3A_751 : vector<1x128xf32> to vector<1024x128xf32>
    %add3A_754 = arith.addf %add3A_752, %add3A_753 : vector<1024x128xf32>
    %slice3A_755 = vector.extract_strided_slice %dot_general3A_670 {offsets = [0, 768], sizes = [1024, 128], strides = [1, 1]} : vector<1024x1024xf32> to vector<1024x128xf32>
    %sub3A_756 = arith.subf %add3A_754, %slice3A_755 : vector<1024x128xf32>
    %lt3A_757 = arith.cmpf olt, %sub3A_756, %select_n3A_745 : vector<1024x128xf32>
    %select_n3A_758 = arith.select %lt3A_757, %sub3A_756, %select_n3A_745 : vector<1024x128xi1>, vector<1024x128xf32>
    %jit3A_759 = arith.constant 54 : i32
    %broadcast_in_dim3A_760 = vector.broadcast %jit3A_759 : i32 to vector<1024x128xi32>
    %select_n3A_761 = arith.select %lt3A_757, %broadcast_in_dim3A_760, %select_n3A_748 : vector<1024x128xi1>, vector<1024x128xi32>
    %get3A_762 = arith.constant 0 : index
    %get3A_763 = arith.constant 7040 : index
    %get3A_764 = vector.load %arg4[%get3A_762, %get3A_763] : memref<1x8192xf32, #tpu.memory_space<vmem>>, vector<1x128xf32>
    %add3A_765 = vector.broadcast %get3A_1 : vector<1024x1xf32> to vector<1024x128xf32>
    %add3A_766 = vector.broadcast %get3A_764 : vector<1x128xf32> to vector<1024x128xf32>
    %add3A_767 = arith.addf %add3A_765, %add3A_766 : vector<1024x128xf32>
    %slice3A_768 = vector.extract_strided_slice %dot_general3A_670 {offsets = [0, 896], sizes = [1024, 128], strides = [1, 1]} : vector<1024x1024xf32> to vector<1024x128xf32>
    %sub3A_769 = arith.subf %add3A_767, %slice3A_768 : vector<1024x128xf32>
    %lt3A_770 = arith.cmpf olt, %sub3A_769, %select_n3A_758 : vector<1024x128xf32>
    %select_n3A_771 = arith.select %lt3A_770, %sub3A_769, %select_n3A_758 : vector<1024x128xi1>, vector<1024x128xf32>
    %jit3A_772 = arith.constant 55 : i32
    %broadcast_in_dim3A_773 = vector.broadcast %jit3A_772 : i32 to vector<1024x128xi32>
    %select_n3A_774 = arith.select %lt3A_770, %broadcast_in_dim3A_773, %select_n3A_761 : vector<1024x128xi1>, vector<1024x128xi32>
    %get3A_775 = arith.constant 0 : index
    %get3A_776 = arith.constant 0 : index
    %get3A_777 = vector.load %arg2[%get3A_775, %get3A_776] : memref<1024x32xf32, #tpu.memory_space<vmem>>, vector<1024x32xf32>
    %get3A_778 = arith.constant 0 : index
    %get3A_779 = arith.constant 7168 : index
    %get3A_780 = vector.load %arg3[%get3A_778, %get3A_779] : memref<32x8192xf32, #tpu.memory_space<vmem>>, vector<32x1024xf32>
    %dot_general3A_781 = arith.constant dense<0.000000e+00> : vector<1024x1024xf32>
    %dot_general3A_782 = tpu.matmul %get3A_777, %get3A_780, %dot_general3A_781 {dimension_numbers = #tpu.dot_dimension_numbers<[1], [0], [0], [1], [0, 0, 1, 1], [], []>, transpose_lhs_hint = false} : vector<1024x32xf32>, vector<32x1024xf32>, vector<1024x1024xf32> -> vector<1024x1024xf32>
    %get3A_783 = arith.constant 0 : index
    %get3A_784 = arith.constant 7168 : index
    %get3A_785 = vector.load %arg4[%get3A_783, %get3A_784] : memref<1x8192xf32, #tpu.memory_space<vmem>>, vector<1x128xf32>
    %add3A_786 = vector.broadcast %get3A_1 : vector<1024x1xf32> to vector<1024x128xf32>
    %add3A_787 = vector.broadcast %get3A_785 : vector<1x128xf32> to vector<1024x128xf32>
    %add3A_788 = arith.addf %add3A_786, %add3A_787 : vector<1024x128xf32>
    %slice3A_789 = vector.extract_strided_slice %dot_general3A_782 {offsets = [0, 0], sizes = [1024, 128], strides = [1, 1]} : vector<1024x1024xf32> to vector<1024x128xf32>
    %sub3A_790 = arith.subf %add3A_788, %slice3A_789 : vector<1024x128xf32>
    %lt3A_791 = arith.cmpf olt, %sub3A_790, %select_n3A_771 : vector<1024x128xf32>
    %select_n3A_792 = arith.select %lt3A_791, %sub3A_790, %select_n3A_771 : vector<1024x128xi1>, vector<1024x128xf32>
    %jit3A_793 = arith.constant 56 : i32
    %broadcast_in_dim3A_794 = vector.broadcast %jit3A_793 : i32 to vector<1024x128xi32>
    %select_n3A_795 = arith.select %lt3A_791, %broadcast_in_dim3A_794, %select_n3A_774 : vector<1024x128xi1>, vector<1024x128xi32>
    %get3A_796 = arith.constant 0 : index
    %get3A_797 = arith.constant 7296 : index
    %get3A_798 = vector.load %arg4[%get3A_796, %get3A_797] : memref<1x8192xf32, #tpu.memory_space<vmem>>, vector<1x128xf32>
    %add3A_799 = vector.broadcast %get3A_1 : vector<1024x1xf32> to vector<1024x128xf32>
    %add3A_800 = vector.broadcast %get3A_798 : vector<1x128xf32> to vector<1024x128xf32>
    %add3A_801 = arith.addf %add3A_799, %add3A_800 : vector<1024x128xf32>
    %slice3A_802 = vector.extract_strided_slice %dot_general3A_782 {offsets = [0, 128], sizes = [1024, 128], strides = [1, 1]} : vector<1024x1024xf32> to vector<1024x128xf32>
    %sub3A_803 = arith.subf %add3A_801, %slice3A_802 : vector<1024x128xf32>
    %lt3A_804 = arith.cmpf olt, %sub3A_803, %select_n3A_792 : vector<1024x128xf32>
    %select_n3A_805 = arith.select %lt3A_804, %sub3A_803, %select_n3A_792 : vector<1024x128xi1>, vector<1024x128xf32>
    %jit3A_806 = arith.constant 57 : i32
    %broadcast_in_dim3A_807 = vector.broadcast %jit3A_806 : i32 to vector<1024x128xi32>
    %select_n3A_808 = arith.select %lt3A_804, %broadcast_in_dim3A_807, %select_n3A_795 : vector<1024x128xi1>, vector<1024x128xi32>
    %get3A_809 = arith.constant 0 : index
    %get3A_810 = arith.constant 7424 : index
    %get3A_811 = vector.load %arg4[%get3A_809, %get3A_810] : memref<1x8192xf32, #tpu.memory_space<vmem>>, vector<1x128xf32>
    %add3A_812 = vector.broadcast %get3A_1 : vector<1024x1xf32> to vector<1024x128xf32>
    %add3A_813 = vector.broadcast %get3A_811 : vector<1x128xf32> to vector<1024x128xf32>
    %add3A_814 = arith.addf %add3A_812, %add3A_813 : vector<1024x128xf32>
    %slice3A_815 = vector.extract_strided_slice %dot_general3A_782 {offsets = [0, 256], sizes = [1024, 128], strides = [1, 1]} : vector<1024x1024xf32> to vector<1024x128xf32>
    %sub3A_816 = arith.subf %add3A_814, %slice3A_815 : vector<1024x128xf32>
    %lt3A_817 = arith.cmpf olt, %sub3A_816, %select_n3A_805 : vector<1024x128xf32>
    %select_n3A_818 = arith.select %lt3A_817, %sub3A_816, %select_n3A_805 : vector<1024x128xi1>, vector<1024x128xf32>
    %jit3A_819 = arith.constant 58 : i32
    %broadcast_in_dim3A_820 = vector.broadcast %jit3A_819 : i32 to vector<1024x128xi32>
    %select_n3A_821 = arith.select %lt3A_817, %broadcast_in_dim3A_820, %select_n3A_808 : vector<1024x128xi1>, vector<1024x128xi32>
    %get3A_822 = arith.constant 0 : index
    %get3A_823 = arith.constant 7552 : index
    %get3A_824 = vector.load %arg4[%get3A_822, %get3A_823] : memref<1x8192xf32, #tpu.memory_space<vmem>>, vector<1x128xf32>
    %add3A_825 = vector.broadcast %get3A_1 : vector<1024x1xf32> to vector<1024x128xf32>
    %add3A_826 = vector.broadcast %get3A_824 : vector<1x128xf32> to vector<1024x128xf32>
    %add3A_827 = arith.addf %add3A_825, %add3A_826 : vector<1024x128xf32>
    %slice3A_828 = vector.extract_strided_slice %dot_general3A_782 {offsets = [0, 384], sizes = [1024, 128], strides = [1, 1]} : vector<1024x1024xf32> to vector<1024x128xf32>
    %sub3A_829 = arith.subf %add3A_827, %slice3A_828 : vector<1024x128xf32>
    %lt3A_830 = arith.cmpf olt, %sub3A_829, %select_n3A_818 : vector<1024x128xf32>
    %select_n3A_831 = arith.select %lt3A_830, %sub3A_829, %select_n3A_818 : vector<1024x128xi1>, vector<1024x128xf32>
    %jit3A_832 = arith.constant 59 : i32
    %broadcast_in_dim3A_833 = vector.broadcast %jit3A_832 : i32 to vector<1024x128xi32>
    %select_n3A_834 = arith.select %lt3A_830, %broadcast_in_dim3A_833, %select_n3A_821 : vector<1024x128xi1>, vector<1024x128xi32>
    %get3A_835 = arith.constant 0 : index
    %get3A_836 = arith.constant 7680 : index
    %get3A_837 = vector.load %arg4[%get3A_835, %get3A_836] : memref<1x8192xf32, #tpu.memory_space<vmem>>, vector<1x128xf32>
    %add3A_838 = vector.broadcast %get3A_1 : vector<1024x1xf32> to vector<1024x128xf32>
    %add3A_839 = vector.broadcast %get3A_837 : vector<1x128xf32> to vector<1024x128xf32>
    %add3A_840 = arith.addf %add3A_838, %add3A_839 : vector<1024x128xf32>
    %slice3A_841 = vector.extract_strided_slice %dot_general3A_782 {offsets = [0, 512], sizes = [1024, 128], strides = [1, 1]} : vector<1024x1024xf32> to vector<1024x128xf32>
    %sub3A_842 = arith.subf %add3A_840, %slice3A_841 : vector<1024x128xf32>
    %lt3A_843 = arith.cmpf olt, %sub3A_842, %select_n3A_831 : vector<1024x128xf32>
    %select_n3A_844 = arith.select %lt3A_843, %sub3A_842, %select_n3A_831 : vector<1024x128xi1>, vector<1024x128xf32>
    %jit3A_845 = arith.constant 60 : i32
    %broadcast_in_dim3A_846 = vector.broadcast %jit3A_845 : i32 to vector<1024x128xi32>
    %select_n3A_847 = arith.select %lt3A_843, %broadcast_in_dim3A_846, %select_n3A_834 : vector<1024x128xi1>, vector<1024x128xi32>
    %get3A_848 = arith.constant 0 : index
    %get3A_849 = arith.constant 7808 : index
    %get3A_850 = vector.load %arg4[%get3A_848, %get3A_849] : memref<1x8192xf32, #tpu.memory_space<vmem>>, vector<1x128xf32>
    %add3A_851 = vector.broadcast %get3A_1 : vector<1024x1xf32> to vector<1024x128xf32>
    %add3A_852 = vector.broadcast %get3A_850 : vector<1x128xf32> to vector<1024x128xf32>
    %add3A_853 = arith.addf %add3A_851, %add3A_852 : vector<1024x128xf32>
    %slice3A_854 = vector.extract_strided_slice %dot_general3A_782 {offsets = [0, 640], sizes = [1024, 128], strides = [1, 1]} : vector<1024x1024xf32> to vector<1024x128xf32>
    %sub3A_855 = arith.subf %add3A_853, %slice3A_854 : vector<1024x128xf32>
    %lt3A_856 = arith.cmpf olt, %sub3A_855, %select_n3A_844 : vector<1024x128xf32>
    %select_n3A_857 = arith.select %lt3A_856, %sub3A_855, %select_n3A_844 : vector<1024x128xi1>, vector<1024x128xf32>
    %jit3A_858 = arith.constant 61 : i32
    %broadcast_in_dim3A_859 = vector.broadcast %jit3A_858 : i32 to vector<1024x128xi32>
    %select_n3A_860 = arith.select %lt3A_856, %broadcast_in_dim3A_859, %select_n3A_847 : vector<1024x128xi1>, vector<1024x128xi32>
    %get3A_861 = arith.constant 0 : index
    %get3A_862 = arith.constant 7936 : index
    %get3A_863 = vector.load %arg4[%get3A_861, %get3A_862] : memref<1x8192xf32, #tpu.memory_space<vmem>>, vector<1x128xf32>
    %add3A_864 = vector.broadcast %get3A_1 : vector<1024x1xf32> to vector<1024x128xf32>
    %add3A_865 = vector.broadcast %get3A_863 : vector<1x128xf32> to vector<1024x128xf32>
    %add3A_866 = arith.addf %add3A_864, %add3A_865 : vector<1024x128xf32>
    %slice3A_867 = vector.extract_strided_slice %dot_general3A_782 {offsets = [0, 768], sizes = [1024, 128], strides = [1, 1]} : vector<1024x1024xf32> to vector<1024x128xf32>
    %sub3A_868 = arith.subf %add3A_866, %slice3A_867 : vector<1024x128xf32>
    %lt3A_869 = arith.cmpf olt, %sub3A_868, %select_n3A_857 : vector<1024x128xf32>
    %select_n3A_870 = arith.select %lt3A_869, %sub3A_868, %select_n3A_857 : vector<1024x128xi1>, vector<1024x128xf32>
    %jit3A_871 = arith.constant 62 : i32
    %broadcast_in_dim3A_872 = vector.broadcast %jit3A_871 : i32 to vector<1024x128xi32>
    %select_n3A_873 = arith.select %lt3A_869, %broadcast_in_dim3A_872, %select_n3A_860 : vector<1024x128xi1>, vector<1024x128xi32>
    %get3A_874 = arith.constant 0 : index
    %get3A_875 = arith.constant 8064 : index
    %get3A_876 = vector.load %arg4[%get3A_874, %get3A_875] : memref<1x8192xf32, #tpu.memory_space<vmem>>, vector<1x128xf32>
    %add3A_877 = vector.broadcast %get3A_1 : vector<1024x1xf32> to vector<1024x128xf32>
    %add3A_878 = vector.broadcast %get3A_876 : vector<1x128xf32> to vector<1024x128xf32>
    %add3A_879 = arith.addf %add3A_877, %add3A_878 : vector<1024x128xf32>
    %slice3A_880 = vector.extract_strided_slice %dot_general3A_782 {offsets = [0, 896], sizes = [1024, 128], strides = [1, 1]} : vector<1024x1024xf32> to vector<1024x128xf32>
    %sub3A_881 = arith.subf %add3A_879, %slice3A_880 : vector<1024x128xf32>
    %lt3A_882 = arith.cmpf olt, %sub3A_881, %select_n3A_870 : vector<1024x128xf32>
    %select_n3A_883 = arith.select %lt3A_882, %sub3A_881, %select_n3A_870 : vector<1024x128xi1>, vector<1024x128xf32>
    %jit3A_884 = arith.constant 63 : i32
    %broadcast_in_dim3A_885 = vector.broadcast %jit3A_884 : i32 to vector<1024x128xi32>
    %select_n3A_886 = arith.select %lt3A_882, %broadcast_in_dim3A_885, %select_n3A_873 : vector<1024x128xi1>, vector<1024x128xi32>
    %reduce_min3A = arith.constant dense<0x7F800000> : vector<1024xf32>
    %reduce_min3A_887 = vector.multi_reduction <minimumf>, %select_n3A_883, %reduce_min3A [1] : vector<1024x128xf32> to vector<1024xf32>
    %broadcast_in_dim3A_888 = vector.shape_cast %reduce_min3A_887 : vector<1024xf32> to vector<1024x1xf32>
    %iota3A = tpu.iota {dimensions = array<i32: 1>} : vector<1024x128xi32>
    %eq3A = vector.broadcast %broadcast_in_dim3A_888 : vector<1024x1xf32> to vector<1024x128xf32>
    %eq3A_889 = arith.cmpf oeq, %select_n3A_883, %eq3A : vector<1024x128xf32>
    %mul3A = arith.constant 128 : i32
    %mul3A_890 = vector.broadcast %mul3A : i32 to vector<1024x128xi32>
    %mul3A_891 = arith.muli %select_n3A_886, %mul3A_890 : vector<1024x128xi32>
    %add3A_892 = arith.addi %mul3A_891, %iota3A : vector<1024x128xi32>
    %jit3A_893 = arith.constant 8192 : i32
    %broadcast_in_dim3A_894 = vector.broadcast %jit3A_893 : i32 to vector<1024x128xi32>
    %select_n3A_895 = arith.select %eq3A_889, %add3A_892, %broadcast_in_dim3A_894 : vector<1024x128xi1>, vector<1024x128xi32>
    %reduce_min3A_896 = arith.constant dense<2147483647> : vector<1024xi32>
    %reduce_min3A_897 = vector.multi_reduction <minsi>, %select_n3A_895, %reduce_min3A_896 [1] : vector<1024x128xi32> to vector<1024xi32>
    %broadcast_in_dim3A_898 = vector.shape_cast %reduce_min3A_897 : vector<1024xi32> to vector<1024x1xi32>
    %swap3A = arith.constant 0 : index
    %swap3A_899 = arith.constant 0 : index
    %swap3A_900 = vector.load %arg5[%swap3A, %swap3A_899] : memref<1024x1xi32, #tpu.memory_space<vmem>>, vector<1024x1xi32>
    tpu.vector_store %arg5[%swap3A, %swap3A_899], %broadcast_in_dim3A_898 {strides = array<i32>} : memref<1024x1xi32, #tpu.memory_space<vmem>>, vector<1024x1xi32>,
    %swap3A_901 = arith.constant 0 : index
    %swap3A_902 = arith.constant 0 : index
    %swap3A_903 = vector.load %arg6[%swap3A_901, %swap3A_902] : memref<1024x1xf32, #tpu.memory_space<vmem>>, vector<1024x1xf32>
    tpu.vector_store %arg6[%swap3A_901, %swap3A_902], %broadcast_in_dim3A_888 {strides = array<i32>} : memref<1024x1xf32, #tpu.memory_space<vmem>>, vector<1024x1xf32>,
    %reduce_sum3A = vector.shape_cast %broadcast_in_dim3A_888 : vector<1024x1xf32> to vector<1x1024x1xf32>
    %reduce_sum3A_904 = arith.constant dense<0.000000e+00> : vector<1xf32>
    %reduce_sum3A_905 = vector.multi_reduction <add>, %reduce_sum3A, %reduce_sum3A_904 [1, 2] : vector<1x1024x1xf32> to vector<1xf32>
    %reduce_sum3A_906 = vector.shape_cast %reduce_sum3A_905 : vector<1xf32> to vector<1x1x1xf32>
    %reduce_sum3A_907 = vector.extract %reduce_sum3A_906[0, 0, 0] : f32 from vector<1x1x1xf32>
    %broadcast_in_dim3A_908 = vector.broadcast %reduce_sum3A_907 : f32 to vector<1x1xf32>
    %reshape3A = vector.shape_cast %broadcast_in_dim3A_908 : vector<1x1xf32> to vector<1x1x1xf32>
    %swap3A_909 = arith.constant 0 : index
    %swap3A_910 = arith.constant 0 : index
    %swap3A_911 = arith.constant 0 : index
    %swap3A_912 = vector.load %arg7[%swap3A_909, %swap3A_910, %swap3A_911] : memref<1x1x1xf32, #tpu.memory_space<vmem>>, vector<1x1x1xf32>
    tpu.vector_store %arg7[%swap3A_909, %swap3A_910, %swap3A_911], %reshape3A {strides = array<i32>} : memref<1x1x1xf32, #tpu.memory_space<vmem>>, vector<1x1x1xf32>,
    return
  }
  func.func @transform_0(%arg0: i32) -> (i32, i32) {
    %c0_i32 = arith.constant 0 : i32
    %c0_i32_0 = arith.constant 0 : i32
    return %arg0, %c0_i32 : i32, i32
  }
  func.func @transform_1(%arg0: i32) -> (i32, i32) {
    %c0_i32 = arith.constant 0 : i32
    %c0_i32_0 = arith.constant 0 : i32
    return %arg0, %c0_i32 : i32, i32
  }
  func.func @transform_2(%arg0: i32) -> (i32, i32) {
    %c0_i32 = arith.constant 0 : i32
    %c0_i32_0 = arith.constant 0 : i32
    %c0_i32_1 = arith.constant 0 : i32
    return %c0_i32, %c0_i32_0 : i32, i32
  }
  func.func @transform_3(%arg0: i32) -> (i32, i32) {
    %c0_i32 = arith.constant 0 : i32
    %c0_i32_0 = arith.constant 0 : i32
    %c0_i32_1 = arith.constant 0 : i32
    return %c0_i32, %c0_i32_0 : i32, i32
  }
  func.func @transform_4(%arg0: i32) -> (i32, i32) {
    %c0_i32 = arith.constant 0 : i32
    %c0_i32_0 = arith.constant 0 : i32
    return %arg0, %c0_i32 : i32, i32
  }
  func.func @transform_5(%arg0: i32) -> (i32, i32) {
    %c0_i32 = arith.constant 0 : i32
    %c0_i32_0 = arith.constant 0 : i32
    return %arg0, %c0_i32 : i32, i32
  }
  func.func @transform_6(%arg0: i32) -> (i32, i32, i32) {
    %c0_i32 = arith.constant 0 : i32
    %c0_i32_0 = arith.constant 0 : i32
    %c0_i32_1 = arith.constant 0 : i32
    return %arg0, %c0_i32, %c0_i32_0 : i32, i32, i32
  }
}

</mosaic_0001>

<sc_bundles>
// kernel: kernel.4.cloned.1.call-start
scs
__scs_entry_jumppad:
0x0: {  	(pc) =	sbr.rel $0x88, $3  }
0x1: {  	(tag) =	ssettag $0x0;
	lr =	simm.s32 $0x1  }
0x2: {  	[smem:$0x3F9F] =	sst lr;
	_ =	strace $0xD0000000  }
0x3: {  	_ = 	snop  }
0x4: {  	_ = 	snop  }
0x5: {  	_ = 	snop  }
0x6: {  	_ = 	snop  }
0x7: {  	_ = 	snop  }
__scs_overlays_trampoline_lowered:
0x8: {  	[smem:$0x3FAE] =	sst s0  }
0x9: {  	[smem:$0x3FAF] =	sst s1  }
0xa: {  	[smem:$0x3FB0] =	sst s2  }
0xb: {  	[smem:$0x3FB1] =	sst s3  }
0xc: {  	[smem:$0x3FB2] =	sst s4  }
0xd: {  	[smem:$0x3FB3] =	sst s5  }
0xe: {  	[smem:$0x3FB4] =	sst s6  }
0xf: {  	[smem:$0x3FB5] =	sst s7  }
0x10: {  	[smem:$0x3FB6] =	sst s8  }
0x11: {  	[smem:$0x3FB7] =	sst s9;
	s0 =	simm.s32 @!p0 $0x0  }
0x12: {  	s1 =	sld [smem:$0x3F9D];
	s0 =	simm.s32 @p0 $0x1  }
0x13: {  	[smem:$0x3FB8] =	sst s0;
	s0 =	simm.s32 @!p1 $0x0  }
0x14: {  	s2 =	sld [smem:$0x3F9C];
	s0 =	simm.s32 @p1 $0x1  }
0x15: {  	[smem:$0x3FB9] =	sst s0;
	s0 =	simm.s32 @!p2 $0x0  }
0x16: {  	s3 =	sld [smem:$0x3FDB];
	s0 =	simm.s32 @p2 $0x1  }
0x17: {  	s4 =	simm.s32 $0x1BF5;
	[smem:$0x3FBB] =	sst s0  }
0x18: {  	s0 =	sld [smem:$0x3F9E];
	_ =	swait.ge [sflag:s4], $0x0  }
0x19: {  	s7 =	sld [smem:$0x3F9F]  }
0x1a: {  	s8 =	sadd.s32 $0xFFFFE003, lr  }
0x1b: {  	s9 =	sadd.s32 $0xFFFFFEF7, lr;
	s5 =	simm.s32 $0xFFFFFFFF;
	p2 =	slt.u32 s8, $0xFFFFF086  }
0x1c: {  	p1 =	slt.u32 s9, $0xF7A;
	s5 =	simm.s32 @!p2 $0x0  }
0x1d: {  	s5 =	simm.s32 @p1 $0x1;
	p0 =	seq.s32 s7, s2  }
0x1e: {  	s7 =	smul.u32 @!p0 $0xF7A, s2;
	p2 =	seq.s32 @!p0 s5, $0x0  }
0x1f: {  	s9 =	smul.u32 $0xF7A, s1;
	s8 =	simm.s32 @!p0 $0x1BF5;
	p2 =	por !p2, p0  }
0x20: {  	[sflag:s8] =	ssyncset.s32 @!p0 $0xFFFFF086;
	s6 =	sadd.s32 @!p0 s3, s7;
	s7 =	simm.s32 @!p0 $0x108  }
0x21: {  	s3 =	sadd.s32 s3, s9;
	s6 =	sadd.s32 @!p0 $0x88, s6;
	s7 =	simm.s32 @p2 $0x1082  }
0x22: {  	[simem:s7], [sflag:s8] =	dma.local @!p0 [hbm:s6], $0xF7A  }
0x23: {  	s9 =	sor.u32 $0xD0000000, s2;
	s6 =	simm.s32 $0x108;
	_ =	swait.ge @!p0 [sflag:s8], $0x0  }
0x24: {  	s3 =	sadd.s32 $0x88, s3;
	s6 =	simm.s32 @!p1 $0x1082;
	[sflag:s4] =	ssyncset.s32 $0xFFFFF086  }
0x25: {  	[simem:s6], [sflag:s4] =	dma.local [hbm:s3], $0xF7A  }
0x26: {  	[smem:$0x3F9F] =	sst s1;
	(tag) =	ssettag s2;
	_ =	strace s9  }
0x27: {  	s1 =	sld [smem:$0x3FAF]  }
0x28: {  	s2 =	sld [smem:$0x3FB0]  }
0x29: {  	s4 =	sld [smem:$0x3FB2]  }
0x2a: {  	p0 =	seq.s32 s5, $0x0;
	s5 =	sld [smem:$0x3FB3]  }
0x2b: {  	s6 =	sld [smem:$0x3FB4]  }
0x2c: {  	s7 =	sld [smem:$0x3FB5]  }
0x2d: {  	s3 =	simm.s32 $0x108;
	s8 =	sld [smem:$0x3FB6]  }
0x2e: {  	s3 =	simm.s32 @!p0 $0x1082;
	s9 =	sld [smem:$0x3FB7]  }
0x2f: {  	lr =	sadd.s32 s0, s3;
	s0 =	sld [smem:$0x3FAE]  }
0x30: {  	s3 =	sld [smem:$0x3FB1]  }
0x31: {  	[smem:$0x3FBA] =	sst s10  }
0x32: {  	s10 =	sld [smem:$0x3FB8];
	_ =	sdelay $0x3  }
0x33: {  	p0 =	seq.s32 s10, $0x1;
	s10 =	sld [smem:$0x3FBA];
	_ =	sdelay $0x3  }
0x34: {  	[smem:$0x3FBA] =	sst s10  }
0x35: {  	s10 =	sld [smem:$0x3FB9];
	_ =	sdelay $0x3  }
0x36: {  	p1 =	seq.s32 s10, $0x1;
	s10 =	sld [smem:$0x3FBA];
	_ =	sdelay $0x3  }
0x37: {  	[smem:$0x3FBA] =	sst s10  }
0x38: {  	s10 =	sld [smem:$0x3FBB]  }
0x39: {  	_ = 	snop;
	(pc) =	sbr.ind lr, $3  }
0x3a: {  	_ = 	snop  }
0x3b: {  	_ = 	snop  }
0x3c: {  	p2 =	seq.s32 s10, $0x1;
	s10 =	sld [smem:$0x3FBA]  }
0x3d: {  	_ =	shalt  }
0x3e: {  	_ =	shalt  }
0x3f: {  	_ =	shalt  }
0x40: {  	_ =	shalt  }
0x41: {  	_ =	shalt  }
0x42: {  	_ =	shalt  }
0x43: {  	_ =	shalt  }
0x44: {  	_ =	shalt  }
0x45: {  	_ =	shalt  }
0x46: {  	_ =	shalt  }
0x47: {  	_ =	shalt  }
0x48: {  	_ =	shalt  }
0x49: {  	_ =	shalt  }
0x4a: {  	_ =	shalt  }
0x4b: {  	_ =	shalt  }
0x4c: {  	_ =	shalt  }
0x4d: {  	_ =	shalt  }
0x4e: {  	_ =	shalt  }
0x4f: {  	_ =	shalt  }
0x50: {  	_ =	shalt  }
0x51: {  	_ =	shalt  }
0x52: {  	_ =	shalt  }
0x53: {  	_ =	shalt  }
0x54: {  	_ =	shalt  }
0x55: {  	_ =	shalt  }
0x56: {  	_ =	shalt  }
0x57: {  	_ =	shalt  }
0x58: {  	_ =	shalt  }
0x59: {  	_ =	shalt  }
0x5a: {  	_ =	shalt  }
0x5b: {  	_ =	shalt  }
0x5c: {  	_ =	shalt  }
0x5d: {  	_ =	shalt  }
0x5e: {  	_ =	shalt  }
0x5f: {  	_ =	shalt  }
0x60: {  	_ =	shalt  }
0x61: {  	_ =	shalt  }
0x62: {  	_ =	shalt  }
0x63: {  	_ =	shalt  }
0x64: {  	_ =	shalt  }
0x65: {  	_ =	shalt  }
0x66: {  	_ =	shalt  }
0x67: {  	_ =	shalt  }
0x68: {  	_ =	shalt  }
0x69: {  	_ =	shalt  }
0x6a: {  	_ =	shalt  }
0x6b: {  	_ =	shalt  }
0x6c: {  	_ =	shalt  }
0x6d: {  	_ =	shalt  }
0x6e: {  	_ =	shalt  }
0x6f: {  	_ =	shalt  }
0x70: {  	_ =	shalt  }
0x71: {  	_ =	shalt  }
0x72: {  	_ =	shalt  }
0x73: {  	_ =	shalt  }
0x74: {  	_ =	shalt  }
0x75: {  	_ =	shalt  }
0x76: {  	_ =	shalt  }
0x77: {  	_ =	shalt  }
0x78: {  	_ =	shalt  }
0x79: {  	_ =	shalt  }
0x7a: {  	_ =	shalt  }
0x7b: {  	_ =	shalt  }
0x7c: {  	_ =	shalt  }
0x7d: {  	_ =	shalt  }
0x7e: {  	_ =	shalt  }
0x7f: {  	_ =	shalt  }
0x80: {  	_ =	shalt  }
0x81: {  	_ =	shalt  }
0x82: {  	_ =	shalt  }
0x83: {  	_ =	shalt  }
0x84: {  	_ =	shalt  }
0x85: {  	_ =	shalt  }
0x86: {  	_ =	shalt  }
0x87: {  	_ =	shalt  }
.Lfunc_end0:
.L_simem_size_0:
called_computation_lowered:
.L_overlay_start_0:
0x88: {  	s2 =	sld [smem:$0x3FD9]  }
0x89: {  	s3 =	sld [smem:$0x3FFE];
	_ =	sdelay $0x1  }
0x8a: {  	s1 =	srdreg.scid  }
0x8b: {  	s0 =	sand.u32 $0x1, s1  }
0x8c: {  	s14 =	sshll.u32 s0, $0xA;
	s2 =	sadd.s32 s3, s2  }
0x8d: {  	s2 =	sadd.s32 s2, s14  }
0x8e: {  	[smem:$0x3FC6] =	sst s2  }
0x8f: {  	_ = 	snop  }
0x90: {  	s2 =	sld [smem:$0x3FD0];
	_ =	sdelay $0x2  }
0x91: {  	s15 =	simm.s32 $0xA;
	s4 =	simm.s32 $0x10  }
0x92: {  	[smem:s4], [sflag:s15] =	dma.local [hbm:s2], $0x1  }
0x93: {  	_ =	swait.eq [sflag:s15], $0x1  }
0x94: {  	[sflag:s15] =	ssyncset.done $0x0  }
0x95: {  	[sflag:s15] =	ssyncadd.s32 $0xFFFFFFFF  }
0x96: {  	s16 =	sld [smem:$0x10];
	(tm) =	ssettm $0x1  }
0x97: {  	s17 =	sld [smem:$0x3FFB];
	_ =	sdelay $0x3  }
0x98: {  	_ =	strace s17  }
0x99: {  	s3 =	sld [smem:$0x3FFC];
	_ =	sdelay $0x3  }
0x9a: {  	_ =	strace s3  }
0x9b: {  	s3 =	sld [smem:$0x3FFD];
	_ =	sdelay $0x3  }
0x9c: {  	_ =	strace s3  }
0x9d: {  	_ =	strace $0x8FFFFFFF  }
0x9e: {  	s18 =	sld [smem:$0x3FDB];
	_ =	sdelay $0x1  }
0x9f: {  	s19 =	simm.s32 $_scs_section_size  }
0xa0: {  	s5 =	simm.s32 $_size__tile_overlayer_lowered;
	s6 =	simm.s32 $_tile_overlayer_lowered  }
0xa1: {  	s22 =	simm.s32 $0x1BFF;
	s21 =	sshll.u32 s6, $0x1;
	s3 =	sadd.s32 s19, s18  }
0xa2: {  	s7 =	simm.s32 $0x0;
	s20 =	sshll.u32 s5, $0x1;
	s5 =	sadd.s32 s21, s3  }
0xa3: {  	[timem:s7], [sflag:s22] =	dma.local [hbm:s5], s20  }
0xa4: {  	_ =	swait.ge [sflag:s22], s20  }
0xa5: {  	s4 =	ssub.s32 $0x0, s20;
	[sflag:s22] =	ssyncset.done $0x0  }
0xa6: {  	[sflag:s22] =	ssyncadd.s32 s4;
	_ =	sdelay $0x1  }
0xa7: {  	s23 =	simm.s32 $0x1B8B  }
0xa8: {  	_ =	swait.ge [sflag:s23], $0x1  }
0xa9: {  	[sflag:s23] =	ssyncset.done $0x0  }
0xaa: {  	s25 =	simm.s32 $0x1B8E;
	s24 =	sld [smem:$0x3FFE];
	[sflag:s23] =	ssyncadd.s32 $0xFFFFFFFF  }
0xab: {  	s26 =	simm.s32 $execute0_lowered;
	[smem:$0x3FD2] =	sst s25  }
0xac: {  	s5 =	sshll.u32 s26, $0x1;
	_ =	strace $0x80000046;
	[dreg:$0x1] =	wrdreg $0xFFFFFFFF  }
0xad: {  	s28 =	simm.s32 $_size_execute0_lowered;
	s3 =	sadd.s32 s3, s5;
	[dreg:$0x0] =	wrdreg $0x0  }
0xae: {  	s5 =	sshll.u32 s28, $0x1;
	[dreg:$0x2] =	wrdreg s3  }
0xaf: {  	[dreg:$0x3] =	wrdreg s5  }
0xb0: {  	[dreg:$0x4] =	wrdreg $0xC0  }
0xb1: {  	_ =	task [dreg:s7], $0x5FFFF  }
0xb2: {  	[dreg:$0x1] =	wrdreg $0xFFFFFFFF  }
0xb3: {  	[dreg:$0x0] =	wrdreg $0x60  }
0xb4: {  	[dreg:$0x2] =	wrdreg s16  }
0xb5: {  	[dreg:$0x3] =	wrdreg s24  }
0xb6: {  	[dreg:$0x4] =	wrdreg $0x9  }
0xb7: {  	_ =	task.clear_ibuf [dreg:s7], $0x5FFFF;
	_ =	strace $0x90000046  }
0xb8: {  	s29 =	simm.s32 $0x9;
	_ =	strace $0x80000048  }
0xb9: {  	_ =	swait.ge [sflag:s29], $0x1  }
0xba: {  	[sflag:s29] =	ssyncadd.s32 $0xFFFFFFFF  }
0xbb: {  	_ =	strace $0x90000048  }
0xbc: {  	_ =	sfence  }
0xbd: {  	s30 =	sld [smem:$0x0];
	_ =	sdelay $0x2  }
0xbe: {  	s31 =	sshll.u32 s1, $0xD;
	s1 =	sshrl.u32 s1, $0x2  }
0xbf: {  	s3 =	sand.u32 $0x4000, s31;
	s1 =	sadd.s32 s1, s30  }
0xc0: {  	s0 =	sor.u32 s3, s0;
	s1 =	sshll.u32 s1, $0x11  }
0xc1: {  	s0 =	sor.u32 s1, s0  }
0xc2: {  	s0 =	sadd.s32 $0x8F2B, s0  }
0xc3: {  	[sflag:s0] =	ssyncadd.remote.s32 $0x1  }
0xc4: {  	_ =	sfence.sel $0xFFFF  }
0xc5: {  	[dreg:$0x0] =	wrdreg $0xFFFFFFFF;
	(pc) =	sbr.abs _section_cstart, $3  }
0xc6: {  	[dreg:$0x1] =	wrdreg $0xFFFFFFFF  }
0xc7: {  	_ =	task.clear_ibuf [dreg:s7], $0x2FFFF;
	_ =	strace $0x9FFFFFFF  }
0xc8: {  	(tm) =	ssettm $0x7FFFFFFF  }
0xc9: {  	_ =	shalt  }
tec
execute0_lowered:
.L_overlay_start_1:
0x0: {  	(tag) =	ssettag $0x1  }
0x1: {  	s1 =	srdreg.scid;
	s2 =	rddreg [dreg:$0x0]  }
0x2: {  	s0 =	stileid.u32;
	s8 =	rddreg [dreg:$0x1];
	s6 =	sand.u32 $0x1, s1  }
0x3: {  	s3 =	simm.s32 $0x0;
	s4 =	sshll.u32 s0, $0x9;
	s5 =	sshll.u32 s6, $0x8  }
0x4: {  	s7 =	simm.s32 $0x1;
	[smem:$0x7FF] =	sst s3;
	s9 =	sor.u32 s5, s4  }
0x5: {  	s1 =	rddreg [dreg:$0x2];
	_ =	strace $0x80000047;
	s4 =	sshrl.u32 s9, $0x3  }
0x6: {  	s10 =	ssub.s32 $0x2, s6;
	s5 =	sadd.s32 s8, s4;
	s4 =	simm.s32 $0x2  }
0x7: {  	[tilespmem:s3], [sflag:$0x2] =	stream.linear.gather [hbm4b:s5+s3], $0x100, $0x38;
	[tilespmem:$0x8100] =	vst v63  }
0x8: {  	s6 =	simm.s32 $0x100;
	s11 =	sshrl.u32 s10, $0x1;
	_ =	swait.ge [sflag:s4], $0x100  }
0x9: {  	s9 =	sshll.u32 s9, $0x4;
	s31 =	ssub.s32 s10, s11;
	[sflag:s4] =	ssyncset.done $0x0  }
0xa: {  	s8 =	sadd.s32 s9, s8;
	s9 =	smax.u32 s31, $0x1;
	[sflag:s4] =	ssyncadd.s32 $0xFFFFFF00  }
0xb: {  	[tilespmem:s6], [sflag:$0x1] =	stream.indirect.gather [hbm4b:s2+s6], $0x80, s3, s6, $0xb8;
	[tilespmem:$0x8100] =	vst v63  }
0xc: {  	p0 =	sne.s32 s9, $0x1;
	_ =	swait.ge [sflag:s7], $0x8000  }
.Ltmp0:
0xd: {  	[sflag:s7] =	ssyncset.done $0x0;
	(pc) =	sbr.rel @!p0 .LBB2_2-.Ltmp0, $4  }
0xe: {  	s8 =	sadd.s32 $0x400, s8;
	[sflag:s7] =	ssyncadd.s32 $0xFFFF8000  }
0xf: {  	[hbm4b:s8+s3] =	stream.linear.scatter [tilespmem:s6], [sflag:$0x2], $0x8000, $0x38;
	[tilespmem:$0x8100] =	vst v63  }
0x10: {  	_ =	swait.ge [sflag:s4], $0x8000  }
0x11: {  	s9 =	sadd.s32 $0xFFFFFFFF, s9;
	[sflag:s4] =	ssyncset.done $0x0  }
.LBB2_1:
0x12: {  	p0 =	sne.s32 s9, $0x1;
	s9 =	sadd.s32 $0xFFFFFFFF, s9;
	[sflag:s4] =	ssyncadd.s32 $0xFFFF8000  }
0x13: {  	[tilespmem:s3], [sflag:$0x2] =	stream.linear.gather [hbm4b:s5+s3], $0x100, $0x38;
	[tilespmem:$0x8100] =	vst v63  }
0x14: {  	_ =	swait.ge [sflag:s4], $0x100  }
0x15: {  	[sflag:s4] =	ssyncset.done $0x0  }
0x16: {  	[sflag:s4] =	ssyncadd.s32 $0xFFFFFF00  }
0x17: {  	[tilespmem:s6], [sflag:$0x1] =	stream.indirect.gather [hbm4b:s2+s6], $0x80, s3, s6, $0xb8;
	[tilespmem:$0x8100] =	vst v63  }
0x18: {  	_ =	swait.ge [sflag:s7], $0x8000  }
.Ltmp1:
0x19: {  	[sflag:s7] =	ssyncset.done $0x0;
	(pc) =	sbr.rel @p0 .LBB2_1-.Ltmp1, $4  }
0x1a: {  	[sflag:s7] =	ssyncadd.s32 $0xFFFF8000  }
0x1b: {  	[hbm4b:s8+s3] =	stream.linear.scatter [tilespmem:s6], [sflag:$0x2], $0x8000, $0x38;
	[tilespmem:$0x8100] =	vst v63  }
0x1c: {  	_ =	swait.ge [sflag:s4], $0x8000  }
0x1d: {  	[sflag:s4] =	ssyncset.done $0x0  }
.LBB2_2:
0x1e: {  	[sflag:s4] =	ssyncadd.s32 $0xFFFF8000  }
0x1f: {  	_ =	sfence.sel $0x180000  }
0x20: {  	[bflag:$0x0] =	sbarrier.arrive $0xFFFF  }
0x21: {  	p0 =	sne.s32 s0, $0x0;
	_ =	strace $0x90000047  }
0x22: {  	s0 =	sadd.s32 @!p0 $0x100000, s1;
	[bflag:$0x2] =	sbarrier.arrive $0xFFFF  }
0x23: {  	[sflag:s0] =	ssyncadd.tile.s32 @!p0 $0x1;
	_ =	shalt  }
.Lfunc_end2:
_tile_overlayer_lowered:
.L_overlay_start_2:
0x24: {  	(tag) =	ssettag $0x2  }
0x25: {  	s0 =	rddreg [dreg:$0x0];
	s2 =	stileid.u32  }
0x26: {  	s1 =	rddreg [dreg:$0x1];
	p0 =	sne.s32 s2, $0x0  }
0x27: {  	s3 =	rddreg [dreg:$0x2];
	[bflag:$0x3] =	sbarrier.arrive $0xFFFF;
	s2 =	simm.s32 @!p0 $0x1C02  }
0x28: {  	[timem:s3], [sflag:s2] =	dma.local @!p0 [hbm:s0], s1  }
0x29: {  	s0 =	simm.s32 @!p0 $0x2  }
0x2a: {  	_ =	swait.ge @!p0 [sflag:s0], s1  }
0x2b: {  	s1 =	ssub.s32 @!p0 $0x0, s1;
	[sflag:s0] =	ssyncset.done @!p0 $0x0  }
0x2c: {  	[sflag:s0] =	ssyncadd.s32 @!p0 s1  }
0x2d: {  	[bflag:$0x3] =	sbarrier.arrive $0xFFFF  }
0x2e: {  	_ =	shalt  }

</sc_bundles>
